<compile_context>
chip_gen: v7x
topology: tpu7x:2x2x1
jax: 0.10.2.dev20260603
libtpu: 0.0.44.dev20260713+nightly
codegen_flags: <defaults>
</compile_context>

<pallas_src>
import functools

import jax
import jax.numpy as jnp
from jax import lax
from jax.experimental import pallas as pl
from jax.experimental.pallas import tpu as pltpu
from jax.experimental.pallas import tpu_sc as plsc

_NUM_CODES = 1024
_BASIS_DIM = 2700
_BETA = 0.25
_BLK = 256


_PDIM = (_BASIS_DIM + 127) // 128 * 128


def _vq_tc_body(slots_ref, wt_ref, b_ref, basist_ref,
                idx_ref, idx2t_ref, loss_ref, ent_ref,
                acc_ref, cn_ref, msum_ref):
    i = pl.program_id(0)
    nblk = pl.num_programs(0)

    @pl.when(i == 0)
    def _init():
        bsq = basist_ref[...] * basist_ref[...]
        cn_ref[...] = jnp.sum(bsq, axis=0, keepdims=True)
        acc_ref[...] = jnp.zeros_like(acc_ref)
        msum_ref[0] = 0.0

    z = lax.dot_general(slots_ref[...], wt_ref[...], (((1,), (1,)), ((), ())),
                        preferred_element_type=jnp.float32) + b_ref[...][None, :]
    g = lax.dot_general(z, basist_ref[...], (((1,), (0,)), ((), ())),
                        preferred_element_type=jnp.float32)
    zn = jnp.sum(z * z, axis=1, keepdims=True)
    dist = zn - 2.0 * g + cn_ref[...]
    m = jnp.min(dist, axis=1, keepdims=True)
    idx = jnp.argmin(dist, axis=1).astype(jnp.int32)
    idx_ref[...] = idx
    kk = idx2t_ref.shape[1]
    for r in range(_BLK // kk):
        idx2t_ref[r, :] = idx[r * kk:(r + 1) * kk]
    p = jnp.exp(m - dist)
    p = p / jnp.sum(p, axis=1, keepdims=True)
    acc_ref[...] += jnp.sum(p, axis=0, keepdims=True)
    msum_ref[0] += jnp.sum(m)

    @pl.when(i == nblk - 1)
    def _fin():
        nrows = nblk * _BLK
        avg = acc_ref[...] / nrows
        ent_ref[0, 0] = -jnp.sum(avg * jnp.log(avg + 1e-8))
        loss_ref[0, 0] = (_BETA / (nrows * _BASIS_DIM)) * msum_ref[0]


def _vq_tc(slots2d, wt, b2, basist, bsz, k):
    nrows, d = slots2d.shape
    nblk = nrows // _BLK
    return pl.pallas_call(
        _vq_tc_body,
        grid=(nblk,),
        in_specs=[
            pl.BlockSpec((_BLK, d), lambda i: (i, 0)),
            pl.BlockSpec(wt.shape, lambda i: (0, 0)),
            pl.BlockSpec(b2.shape, lambda i: (0,)),
            pl.BlockSpec(basist.shape, lambda i: (0, 0)),
        ],
        out_specs=[
            pl.BlockSpec((_BLK,), lambda i: (i,)),
            pl.BlockSpec((_BLK // k, k), lambda i: (i, 0)),
            pl.BlockSpec(memory_space=pltpu.SMEM),
            pl.BlockSpec(memory_space=pltpu.SMEM),
        ],
        out_shape=[
            jax.ShapeDtypeStruct((nblk * _BLK,), jnp.int32),
            jax.ShapeDtypeStruct((bsz, k), jnp.int32),
            jax.ShapeDtypeStruct((1, 1), jnp.float32),
            jax.ShapeDtypeStruct((1, 1), jnp.float32),
        ],
        scratch_shapes=[
            pltpu.VMEM((1, _NUM_CODES), jnp.float32),
            pltpu.VMEM((1, _NUM_CODES), jnp.float32),
            pltpu.SMEM((1,), jnp.float32),
        ],
    )(slots2d, wt, b2, basist)


def _sc_gather_call(table, idx_flat, dim):
    nrows = idx_flat.shape[0]
    pdim = _PDIM
    info = plsc.get_sparse_core_info()
    ncores = info.num_cores
    nw = ncores * info.num_subcores
    rpw = nrows // nw
    chunk = 16
    nch = rpw // chunk

    @functools.partial(
        pl.kernel,
        out_type=jax.ShapeDtypeStruct((nrows, dim), jnp.float32),
        mesh=plsc.VectorSubcoreMesh(core_axis_name="c", subcore_axis_name="s"),
        scratch_types=[
            pltpu.VMEM((rpw,), jnp.int32),
            pltpu.VMEM((chunk, pdim), jnp.float32),
            pltpu.VMEM((chunk, pdim), jnp.float32),
            pltpu.SemaphoreType.DMA,
            pltpu.SemaphoreType.DMA,
        ],
    )
    def gk(table_hbm, idx_hbm, out_hbm, idx_v, buf0, buf1, s0, s1):
        wid = lax.axis_index("s") * ncores + lax.axis_index("c")
        base = wid * rpw
        pltpu.sync_copy(idx_hbm.at[pl.ds(base, rpw)], idx_v)
        bufs = (buf0, buf1)
        sems = (s0, s1)
        tbl = table_hbm.at[:, pl.ds(0, pdim)]
        cps = {}
        for c in range(min(2, nch)):
            cps[c] = pltpu.async_copy(
                tbl.at[idx_v.at[pl.ds(c * chunk, chunk)]],
                bufs[c % 2], sems[c % 2])
        for c in range(nch):
            cps[c].wait()
            pltpu.sync_copy(
                bufs[c % 2],
                out_hbm.at[pl.ds(base + c * chunk, chunk), pl.ds(0, pdim)])
            nxt = c + 2
            if nxt < nch:
                cps[nxt] = pltpu.async_copy(
                    tbl.at[idx_v.at[pl.ds(nxt * chunk, chunk)]],
                    bufs[nxt % 2], sems[nxt % 2])

    return gk(table, idx_flat)


def kernel(slot_features, W, b, basis_vectors):
    bsz, k, d = slot_features.shape
    slots2d = slot_features.reshape(bsz * k, d)
    idx_flat, indices, loss, ent = _vq_tc(slots2d, W.T, b,
                                          basis_vectors.T, bsz, k)
    q = _sc_gather_call(basis_vectors, idx_flat, _BASIS_DIM)
    return (q.reshape(bsz, k, _BASIS_DIM), indices,
            loss[0, 0], ent[0, 0])

# --- scband reference (transcript-rebuilt; emitter-appended) ---
"""Pipeline reference for scband-basis-vq-11845519802661 (READ-ONLY COPY).

The authoritative reference and input builder live on the scoring server;
editing this copy changes nothing except your own understanding.
"""

import jax, jax.numpy as jnp
import numpy as np

NUM_CODES = 1024
BASIS_DIM = 2700
D_MODEL = 256
BETA = 0.25


def setup_inputs(seed: int = 0) -> dict:
    key = jax.random.key(seed)
    k1, k2, k3, k4 = jax.random.split(key, 4)
    slot_features = jax.random.normal(k1, (64, 32, D_MODEL), dtype=jnp.float32)
    # slot_proj: Linear(d_model -> basis_dim)
    W = jax.random.normal(k2, (D_MODEL, BASIS_DIM), dtype=jnp.float32) * 0.05
    b = jax.random.normal(k3, (BASIS_DIM,), dtype=jnp.float32) * 0.01
    # NMF basis atoms are non-negative
    basis_vectors = jax.random.uniform(k4, (NUM_CODES, BASIS_DIM), dtype=jnp.float32)
    return {"slot_features": slot_features, "W": W, "b": b, "basis_vectors": basis_vectors}


def reference(slot_features, W, b, basis_vectors):
    bsz, k, _ = slot_features.shape
    z_e = slot_features @ W + b  # [B, K, basis_dim]
    z_flat = z_e.reshape(bsz * k, BASIS_DIM)
    dist = (jnp.sum(z_flat ** 2, axis=1, keepdims=True)
            - 2.0 * (z_flat @ basis_vectors.T)
            + jnp.sum(basis_vectors ** 2, axis=1, keepdims=True).T)  # [B*K, num_codes]
    indices_flat = jnp.argmin(dist, axis=-1)  # [B*K]
    e_i = jnp.take(basis_vectors, indices_flat, axis=0).reshape(bsz, k, BASIS_DIM)
    indices = indices_flat.reshape(bsz, k)
    # straight-through
    q_st = z_e + jax.lax.stop_gradient(e_i - z_e)
    commit_loss = jnp.mean((z_e - jax.lax.stop_gradient(e_i)) ** 2)
    vq_loss = BETA * commit_loss
    logits = -dist.reshape(bsz, k, NUM_CODES)
    avg_probs = jax.nn.softmax(logits, axis=-1).reshape(-1, NUM_CODES).mean(axis=0)
    entropy = -jnp.sum(avg_probs * jnp.log(avg_probs + 1e-8))
    return (q_st, indices, vq_loss, entropy)

if __name__ == "__main__":
    import jax
    _d = setup_inputs()
    print(jax.jit(kernel)(*tuple(_d.values())))

</pallas_src>

<mosaic_0001>
#map = affine_map<(d0, d1) -> (0, 0)>
#map1 = affine_map<(d0, d1) -> (0)>
module attributes {stable_mosaic.version = 14 : i64} {
  func.func @gk(%arg0: i32, %arg1: i32, %arg2: memref<1024x2700xf32, #tpu.memory_space<hbm>>, %arg3: memref<2048xi32, #tpu.memory_space<hbm>>, %arg4: memref<2048x2700xf32, #tpu.memory_space<hbm>>, %arg5: memref<64xi32, #tpu.memory_space<vmem>>, %arg6: memref<16x2816xf32, #tpu.memory_space<vmem>>, %arg7: memref<16x2816xf32, #tpu.memory_space<vmem>>, %arg8: memref<!tpu.dma_semaphore, #tpu.memory_space<semaphore_mem>>, %arg9: memref<!tpu.dma_semaphore, #tpu.memory_space<semaphore_mem>>) attributes {dimension_semantics = [#tpu.dimension_semantics<core_parallel>, #tpu.dimension_semantics<subcore_parallel>], iteration_bounds = array<i64: 2, 16>, scalar_prefetch = 0 : i64, scratch_operands = 5 : i64, tpu.core_type = #tpu.core_type<sc_vector_subcore>, window_params = [{transform_indices = #map}, {transform_indices = #map1}, {transform_indices = #map}]} {
    %mul3A = arith.constant 2 : i32
    %mul3A_0 = arith.muli %arg1, %mul3A : i32
    %add3A = arith.addi %mul3A_0, %arg0 : i32
    %mul3A_1 = arith.constant 64 : i32
    %mul3A_2 = arith.muli %add3A, %mul3A_1 : i32
    "tpu.region"() ({
      %run_scoped3A = tpu.sem_alloc : memref<!tpu.dma_semaphore, #tpu.memory_space<semaphore_mem>>
      %dma_start3A_73 = tpu.memref_slice %arg3[%mul3A_2] : memref<2048xi32, #tpu.memory_space<hbm>> -> memref<64xi32, #tpu.memory_space<hbm>>
      %dma_start3A_74 = tpu.memref_slice %arg3[%mul3A_2] : memref<2048xi32, #tpu.memory_space<hbm>> -> memref<64xi32, #tpu.memory_space<hbm>>
      tpu.enqueue_dma source(%dma_start3A_74 : memref<64xi32, #tpu.memory_space<hbm>>) target(%arg5 : memref<64xi32, #tpu.memory_space<vmem>>) target_semaphore(%run_scoped3A : memref<!tpu.dma_semaphore, #tpu.memory_space<semaphore_mem>>)
      %dma_wait3A_75 = tpu.memref_slice %arg3[%mul3A_2] : memref<2048xi32, #tpu.memory_space<hbm>> -> memref<64xi32, #tpu.memory_space<hbm>>
      %dma_wait3A_76 = tpu.memref_slice %arg3[%mul3A_2] : memref<2048xi32, #tpu.memory_space<hbm>> -> memref<64xi32, #tpu.memory_space<hbm>>
      tpu.wait_dma2 semaphore(%run_scoped3A : memref<!tpu.dma_semaphore, #tpu.memory_space<semaphore_mem>>) src(%dma_wait3A_76 : memref<64xi32, #tpu.memory_space<hbm>>) dst(%arg5 : memref<64xi32, #tpu.memory_space<vmem>>)
      tpu.yield
    }) : () -> ()
    %dma_start3A = arith.constant 0 : i32
    %dma_start3A_3 = tpu.memref_slice %arg5[%dma_start3A] : memref<64xi32, #tpu.memory_space<vmem>> -> memref<16xi32, #tpu.memory_space<vmem>>
    %dma_start3A_4 = arith.constant 0 : i32
    %dma_start3A_5 = arith.constant 0 : i32
    %dma_start3A_6 = tpu.memref_slice %arg2[%dma_start3A_4, %dma_start3A_5] : memref<1024x2700xf32, #tpu.memory_space<hbm>> -> memref<1024x2816xf32, #tpu.memory_space<hbm>>
    %dma_start3A_7 = arith.constant 0 : i32
    %dma_start3A_8 = arith.constant 0 : i32
    %dma_start3A_9 = tpu.memref_slice %dma_start3A_6[%dma_start3A_7, %dma_start3A_8] : memref<1024x2816xf32, #tpu.memory_space<hbm>> -> memref<1024x2816xf32, #tpu.memory_space<hbm>>
    tpu.enqueue_indirect_dma source(%dma_start3A_9 : memref<1024x2816xf32, #tpu.memory_space<hbm>>) target(%arg6 : memref<16x2816xf32, #tpu.memory_space<vmem>>) offsets(%dma_start3A_3 : memref<16xi32, #tpu.memory_space<vmem>>) semaphore(%arg8 : memref<!tpu.dma_semaphore, #tpu.memory_space<semaphore_mem>>)
    %dma_start3A_10 = arith.constant 16 : i32
    %dma_start3A_11 = tpu.memref_slice %arg5[%dma_start3A_10] : memref<64xi32, #tpu.memory_space<vmem>> -> memref<16xi32, #tpu.memory_space<vmem>>
    %dma_start3A_12 = arith.constant 0 : i32
    %dma_start3A_13 = arith.constant 0 : i32
    %dma_start3A_14 = tpu.memref_slice %arg2[%dma_start3A_12, %dma_start3A_13] : memref<1024x2700xf32, #tpu.memory_space<hbm>> -> memref<1024x2816xf32, #tpu.memory_space<hbm>>
    %dma_start3A_15 = arith.constant 0 : i32
    %dma_start3A_16 = arith.constant 0 : i32
    %dma_start3A_17 = tpu.memref_slice %dma_start3A_14[%dma_start3A_15, %dma_start3A_16] : memref<1024x2816xf32, #tpu.memory_space<hbm>> -> memref<1024x2816xf32, #tpu.memory_space<hbm>>
    tpu.enqueue_indirect_dma source(%dma_start3A_17 : memref<1024x2816xf32, #tpu.memory_space<hbm>>) target(%arg7 : memref<16x2816xf32, #tpu.memory_space<vmem>>) offsets(%dma_start3A_11 : memref<16xi32, #tpu.memory_space<vmem>>) semaphore(%arg9 : memref<!tpu.dma_semaphore, #tpu.memory_space<semaphore_mem>>)
    %dma_wait3A = arith.constant 0 : i32
    %dma_wait3A_18 = tpu.memref_slice %arg5[%dma_wait3A] : memref<64xi32, #tpu.memory_space<vmem>> -> memref<16xi32, #tpu.memory_space<vmem>>
    %dma_wait3A_19 = arith.constant 0 : i32
    %dma_wait3A_20 = arith.constant 0 : i32
    %dma_wait3A_21 = tpu.memref_slice %arg2[%dma_wait3A_19, %dma_wait3A_20] : memref<1024x2700xf32, #tpu.memory_space<hbm>> -> memref<1024x2816xf32, #tpu.memory_space<hbm>>
    %dma_wait3A_22 = arith.constant 0 : i32
    %dma_wait3A_23 = arith.constant 0 : i32
    %dma_wait3A_24 = tpu.memref_slice %dma_wait3A_21[%dma_wait3A_22, %dma_wait3A_23] : memref<1024x2816xf32, #tpu.memory_space<hbm>> -> memref<1024x2816xf32, #tpu.memory_space<hbm>>
    tpu.wait_indirect_dma semaphore(%arg8 : memref<!tpu.dma_semaphore, #tpu.memory_space<semaphore_mem>>) src(%dma_wait3A_24 : memref<1024x2816xf32, #tpu.memory_space<hbm>>) dst(%arg6 : memref<16x2816xf32, #tpu.memory_space<vmem>>)
    %add3A_25 = arith.constant 0 : i32
    %add3A_26 = arith.addi %mul3A_2, %add3A_25 : i32
    "tpu.region"() ({
      %run_scoped3A = tpu.sem_alloc : memref<!tpu.dma_semaphore, #tpu.memory_space<semaphore_mem>>
      %dma_start3A_73 = arith.constant 0 : i32
      %dma_start3A_74 = tpu.memref_slice %arg4[%add3A_26, %dma_start3A_73] : memref<2048x2700xf32, #tpu.memory_space<hbm>> -> memref<16x2816xf32, #tpu.memory_space<hbm>>
      %dma_start3A_75 = arith.constant 0 : i32
      %dma_start3A_76 = tpu.memref_slice %arg4[%add3A_26, %dma_start3A_75] : memref<2048x2700xf32, #tpu.memory_space<hbm>> -> memref<16x2816xf32, #tpu.memory_space<hbm>>
      tpu.enqueue_dma source(%arg6 : memref<16x2816xf32, #tpu.memory_space<vmem>>) target(%dma_start3A_76 : memref<16x2816xf32, #tpu.memory_space<hbm>>) target_semaphore(%run_scoped3A : memref<!tpu.dma_semaphore, #tpu.memory_space<semaphore_mem>>)
      %dma_wait3A_77 = arith.constant 0 : i32
      %dma_wait3A_78 = tpu.memref_slice %arg4[%add3A_26, %dma_wait3A_77] : memref<2048x2700xf32, #tpu.memory_space<hbm>> -> memref<16x2816xf32, #tpu.memory_space<hbm>>
      %dma_wait3A_79 = arith.constant 0 : i32
      %dma_wait3A_80 = tpu.memref_slice %arg4[%add3A_26, %dma_wait3A_79] : memref<2048x2700xf32, #tpu.memory_space<hbm>> -> memref<16x2816xf32, #tpu.memory_space<hbm>>
      tpu.wait_dma2 semaphore(%run_scoped3A : memref<!tpu.dma_semaphore, #tpu.memory_space<semaphore_mem>>) src(%arg6 : memref<16x2816xf32, #tpu.memory_space<vmem>>) dst(%dma_wait3A_80 : memref<16x2816xf32, #tpu.memory_space<hbm>>)
      tpu.yield
    }) : () -> ()
    %dma_start3A_27 = arith.constant 32 : i32
    %dma_start3A_28 = tpu.memref_slice %arg5[%dma_start3A_27] : memref<64xi32, #tpu.memory_space<vmem>> -> memref<16xi32, #tpu.memory_space<vmem>>
    %dma_start3A_29 = arith.constant 0 : i32
    %dma_start3A_30 = arith.constant 0 : i32
    %dma_start3A_31 = tpu.memref_slice %arg2[%dma_start3A_29, %dma_start3A_30] : memref<1024x2700xf32, #tpu.memory_space<hbm>> -> memref<1024x2816xf32, #tpu.memory_space<hbm>>
    %dma_start3A_32 = arith.constant 0 : i32
    %dma_start3A_33 = arith.constant 0 : i32
    %dma_start3A_34 = tpu.memref_slice %dma_start3A_31[%dma_start3A_32, %dma_start3A_33] : memref<1024x2816xf32, #tpu.memory_space<hbm>> -> memref<1024x2816xf32, #tpu.memory_space<hbm>>
    tpu.enqueue_indirect_dma source(%dma_start3A_34 : memref<1024x2816xf32, #tpu.memory_space<hbm>>) target(%arg6 : memref<16x2816xf32, #tpu.memory_space<vmem>>) offsets(%dma_start3A_28 : memref<16xi32, #tpu.memory_space<vmem>>) semaphore(%arg8 : memref<!tpu.dma_semaphore, #tpu.memory_space<semaphore_mem>>)
    %dma_wait3A_35 = arith.constant 16 : i32
    %dma_wait3A_36 = tpu.memref_slice %arg5[%dma_wait3A_35] : memref<64xi32, #tpu.memory_space<vmem>> -> memref<16xi32, #tpu.memory_space<vmem>>
    %dma_wait3A_37 = arith.constant 0 : i32
    %dma_wait3A_38 = arith.constant 0 : i32
    %dma_wait3A_39 = tpu.memref_slice %arg2[%dma_wait3A_37, %dma_wait3A_38] : memref<1024x2700xf32, #tpu.memory_space<hbm>> -> memref<1024x2816xf32, #tpu.memory_space<hbm>>
    %dma_wait3A_40 = arith.constant 0 : i32
    %dma_wait3A_41 = arith.constant 0 : i32
    %dma_wait3A_42 = tpu.memref_slice %dma_wait3A_39[%dma_wait3A_40, %dma_wait3A_41] : memref<1024x2816xf32, #tpu.memory_space<hbm>> -> memref<1024x2816xf32, #tpu.memory_space<hbm>>
    tpu.wait_indirect_dma semaphore(%arg9 : memref<!tpu.dma_semaphore, #tpu.memory_space<semaphore_mem>>) src(%dma_wait3A_42 : memref<1024x2816xf32, #tpu.memory_space<hbm>>) dst(%arg7 : memref<16x2816xf32, #tpu.memory_space<vmem>>)
    %add3A_43 = arith.constant 16 : i32
    %add3A_44 = arith.addi %mul3A_2, %add3A_43 : i32
    "tpu.region"() ({
      %run_scoped3A = tpu.sem_alloc : memref<!tpu.dma_semaphore, #tpu.memory_space<semaphore_mem>>
      %dma_start3A_73 = arith.constant 0 : i32
      %dma_start3A_74 = tpu.memref_slice %arg4[%add3A_44, %dma_start3A_73] : memref<2048x2700xf32, #tpu.memory_space<hbm>> -> memref<16x2816xf32, #tpu.memory_space<hbm>>
      %dma_start3A_75 = arith.constant 0 : i32
      %dma_start3A_76 = tpu.memref_slice %arg4[%add3A_44, %dma_start3A_75] : memref<2048x2700xf32, #tpu.memory_space<hbm>> -> memref<16x2816xf32, #tpu.memory_space<hbm>>
      tpu.enqueue_dma source(%arg7 : memref<16x2816xf32, #tpu.memory_space<vmem>>) target(%dma_start3A_76 : memref<16x2816xf32, #tpu.memory_space<hbm>>) target_semaphore(%run_scoped3A : memref<!tpu.dma_semaphore, #tpu.memory_space<semaphore_mem>>)
      %dma_wait3A_77 = arith.constant 0 : i32
      %dma_wait3A_78 = tpu.memref_slice %arg4[%add3A_44, %dma_wait3A_77] : memref<2048x2700xf32, #tpu.memory_space<hbm>> -> memref<16x2816xf32, #tpu.memory_space<hbm>>
      %dma_wait3A_79 = arith.constant 0 : i32
      %dma_wait3A_80 = tpu.memref_slice %arg4[%add3A_44, %dma_wait3A_79] : memref<2048x2700xf32, #tpu.memory_space<hbm>> -> memref<16x2816xf32, #tpu.memory_space<hbm>>
      tpu.wait_dma2 semaphore(%run_scoped3A : memref<!tpu.dma_semaphore, #tpu.memory_space<semaphore_mem>>) src(%arg7 : memref<16x2816xf32, #tpu.memory_space<vmem>>) dst(%dma_wait3A_80 : memref<16x2816xf32, #tpu.memory_space<hbm>>)
      tpu.yield
    }) : () -> ()
    %dma_start3A_45 = arith.constant 48 : i32
    %dma_start3A_46 = tpu.memref_slice %arg5[%dma_start3A_45] : memref<64xi32, #tpu.memory_space<vmem>> -> memref<16xi32, #tpu.memory_space<vmem>>
    %dma_start3A_47 = arith.constant 0 : i32
    %dma_start3A_48 = arith.constant 0 : i32
    %dma_start3A_49 = tpu.memref_slice %arg2[%dma_start3A_47, %dma_start3A_48] : memref<1024x2700xf32, #tpu.memory_space<hbm>> -> memref<1024x2816xf32, #tpu.memory_space<hbm>>
    %dma_start3A_50 = arith.constant 0 : i32
    %dma_start3A_51 = arith.constant 0 : i32
    %dma_start3A_52 = tpu.memref_slice %dma_start3A_49[%dma_start3A_50, %dma_start3A_51] : memref<1024x2816xf32, #tpu.memory_space<hbm>> -> memref<1024x2816xf32, #tpu.memory_space<hbm>>
    tpu.enqueue_indirect_dma source(%dma_start3A_52 : memref<1024x2816xf32, #tpu.memory_space<hbm>>) target(%arg7 : memref<16x2816xf32, #tpu.memory_space<vmem>>) offsets(%dma_start3A_46 : memref<16xi32, #tpu.memory_space<vmem>>) semaphore(%arg9 : memref<!tpu.dma_semaphore, #tpu.memory_space<semaphore_mem>>)
    %dma_wait3A_53 = arith.constant 32 : i32
    %dma_wait3A_54 = tpu.memref_slice %arg5[%dma_wait3A_53] : memref<64xi32, #tpu.memory_space<vmem>> -> memref<16xi32, #tpu.memory_space<vmem>>
    %dma_wait3A_55 = arith.constant 0 : i32
    %dma_wait3A_56 = arith.constant 0 : i32
    %dma_wait3A_57 = tpu.memref_slice %arg2[%dma_wait3A_55, %dma_wait3A_56] : memref<1024x2700xf32, #tpu.memory_space<hbm>> -> memref<1024x2816xf32, #tpu.memory_space<hbm>>
    %dma_wait3A_58 = arith.constant 0 : i32
    %dma_wait3A_59 = arith.constant 0 : i32
    %dma_wait3A_60 = tpu.memref_slice %dma_wait3A_57[%dma_wait3A_58, %dma_wait3A_59] : memref<1024x2816xf32, #tpu.memory_space<hbm>> -> memref<1024x2816xf32, #tpu.memory_space<hbm>>
    tpu.wait_indirect_dma semaphore(%arg8 : memref<!tpu.dma_semaphore, #tpu.memory_space<semaphore_mem>>) src(%dma_wait3A_60 : memref<1024x2816xf32, #tpu.memory_space<hbm>>) dst(%arg6 : memref<16x2816xf32, #tpu.memory_space<vmem>>)
    %add3A_61 = arith.constant 32 : i32
    %add3A_62 = arith.addi %mul3A_2, %add3A_61 : i32
    "tpu.region"() ({
      %run_scoped3A = tpu.sem_alloc : memref<!tpu.dma_semaphore, #tpu.memory_space<semaphore_mem>>
      %dma_start3A_73 = arith.constant 0 : i32
      %dma_start3A_74 = tpu.memref_slice %arg4[%add3A_62, %dma_start3A_73] : memref<2048x2700xf32, #tpu.memory_space<hbm>> -> memref<16x2816xf32, #tpu.memory_space<hbm>>
      %dma_start3A_75 = arith.constant 0 : i32
      %dma_start3A_76 = tpu.memref_slice %arg4[%add3A_62, %dma_start3A_75] : memref<2048x2700xf32, #tpu.memory_space<hbm>> -> memref<16x2816xf32, #tpu.memory_space<hbm>>
      tpu.enqueue_dma source(%arg6 : memref<16x2816xf32, #tpu.memory_space<vmem>>) target(%dma_start3A_76 : memref<16x2816xf32, #tpu.memory_space<hbm>>) target_semaphore(%run_scoped3A : memref<!tpu.dma_semaphore, #tpu.memory_space<semaphore_mem>>)
      %dma_wait3A_77 = arith.constant 0 : i32
      %dma_wait3A_78 = tpu.memref_slice %arg4[%add3A_62, %dma_wait3A_77] : memref<2048x2700xf32, #tpu.memory_space<hbm>> -> memref<16x2816xf32, #tpu.memory_space<hbm>>
      %dma_wait3A_79 = arith.constant 0 : i32
      %dma_wait3A_80 = tpu.memref_slice %arg4[%add3A_62, %dma_wait3A_79] : memref<2048x2700xf32, #tpu.memory_space<hbm>> -> memref<16x2816xf32, #tpu.memory_space<hbm>>
      tpu.wait_dma2 semaphore(%run_scoped3A : memref<!tpu.dma_semaphore, #tpu.memory_space<semaphore_mem>>) src(%arg6 : memref<16x2816xf32, #tpu.memory_space<vmem>>) dst(%dma_wait3A_80 : memref<16x2816xf32, #tpu.memory_space<hbm>>)
      tpu.yield
    }) : () -> ()
    %dma_wait3A_63 = arith.constant 48 : i32
    %dma_wait3A_64 = tpu.memref_slice %arg5[%dma_wait3A_63] : memref<64xi32, #tpu.memory_space<vmem>> -> memref<16xi32, #tpu.memory_space<vmem>>
    %dma_wait3A_65 = arith.constant 0 : i32
    %dma_wait3A_66 = arith.constant 0 : i32
    %dma_wait3A_67 = tpu.memref_slice %arg2[%dma_wait3A_65, %dma_wait3A_66] : memref<1024x2700xf32, #tpu.memory_space<hbm>> -> memref<1024x2816xf32, #tpu.memory_space<hbm>>
    %dma_wait3A_68 = arith.constant 0 : i32
    %dma_wait3A_69 = arith.constant 0 : i32
    %dma_wait3A_70 = tpu.memref_slice %dma_wait3A_67[%dma_wait3A_68, %dma_wait3A_69] : memref<1024x2816xf32, #tpu.memory_space<hbm>> -> memref<1024x2816xf32, #tpu.memory_space<hbm>>
    tpu.wait_indirect_dma semaphore(%arg9 : memref<!tpu.dma_semaphore, #tpu.memory_space<semaphore_mem>>) src(%dma_wait3A_70 : memref<1024x2816xf32, #tpu.memory_space<hbm>>) dst(%arg7 : memref<16x2816xf32, #tpu.memory_space<vmem>>)
    %add3A_71 = arith.constant 48 : i32
    %add3A_72 = arith.addi %mul3A_2, %add3A_71 : i32
    "tpu.region"() ({
      %run_scoped3A = tpu.sem_alloc : memref<!tpu.dma_semaphore, #tpu.memory_space<semaphore_mem>>
      %dma_start3A_73 = arith.constant 0 : i32
      %dma_start3A_74 = tpu.memref_slice %arg4[%add3A_72, %dma_start3A_73] : memref<2048x2700xf32, #tpu.memory_space<hbm>> -> memref<16x2816xf32, #tpu.memory_space<hbm>>
      %dma_start3A_75 = arith.constant 0 : i32
      %dma_start3A_76 = tpu.memref_slice %arg4[%add3A_72, %dma_start3A_75] : memref<2048x2700xf32, #tpu.memory_space<hbm>> -> memref<16x2816xf32, #tpu.memory_space<hbm>>
      tpu.enqueue_dma source(%arg7 : memref<16x2816xf32, #tpu.memory_space<vmem>>) target(%dma_start3A_76 : memref<16x2816xf32, #tpu.memory_space<hbm>>) target_semaphore(%run_scoped3A : memref<!tpu.dma_semaphore, #tpu.memory_space<semaphore_mem>>)
      %dma_wait3A_77 = arith.constant 0 : i32
      %dma_wait3A_78 = tpu.memref_slice %arg4[%add3A_72, %dma_wait3A_77] : memref<2048x2700xf32, #tpu.memory_space<hbm>> -> memref<16x2816xf32, #tpu.memory_space<hbm>>
      %dma_wait3A_79 = arith.constant 0 : i32
      %dma_wait3A_80 = tpu.memref_slice %arg4[%add3A_72, %dma_wait3A_79] : memref<2048x2700xf32, #tpu.memory_space<hbm>> -> memref<16x2816xf32, #tpu.memory_space<hbm>>
      tpu.wait_dma2 semaphore(%run_scoped3A : memref<!tpu.dma_semaphore, #tpu.memory_space<semaphore_mem>>) src(%arg7 : memref<16x2816xf32, #tpu.memory_space<vmem>>) dst(%dma_wait3A_80 : memref<16x2816xf32, #tpu.memory_space<hbm>>)
      tpu.yield
    }) : () -> ()
    return
  }
}

module attributes {stable_mosaic.version = 14 : i64} {
  func.func @_vq_tc_body(%arg0: i32, %arg1: memref<256x256xf32, #tpu.memory_space<vmem>>, %arg2: memref<2700x256xf32, #tpu.memory_space<vmem>>, %arg3: memref<2700xf32, #tpu.memory_space<vmem>>, %arg4: memref<2700x1024xf32, #tpu.memory_space<vmem>>, %arg5: memref<256xi32, #tpu.memory_space<vmem>>, %arg6: memref<8x32xi32, #tpu.memory_space<vmem>>, %arg7: memref<1x1xf32, #tpu.memory_space<smem>>, %arg8: memref<1x1xf32, #tpu.memory_space<smem>>, %arg9: memref<1x1024xf32, #tpu.memory_space<vmem>>, %arg10: memref<1x1024xf32, #tpu.memory_space<vmem>>, %arg11: memref<1xf32, #tpu.memory_space<smem>>) attributes {dimension_semantics = [#tpu.dimension_semantics<arbitrary>], iteration_bounds = array<i64: 8>, scalar_prefetch = 0 : i64, scratch_operands = 3 : i64, tpu.core_type = #tpu.core_type<tc>, window_params = [{transform_indices = @transform_0, window_bounds = array<i64: 256, 256>}, {pipeline_mode = #tpu.pipeline_mode<synchronous>, transform_indices = @transform_1, window_bounds = array<i64: 2700, 256>}, {pipeline_mode = #tpu.pipeline_mode<synchronous>, transform_indices = @transform_2, window_bounds = array<i64: 2700>}, {pipeline_mode = #tpu.pipeline_mode<synchronous>, transform_indices = @transform_3, window_bounds = array<i64: 2700, 1024>}, {transform_indices = @transform_4, window_bounds = array<i64: 256>}, {transform_indices = @transform_5, window_bounds = array<i64: 8, 32>}, {transform_indices = @transform_6, window_bounds = array<i64: 1, 1>}, {transform_indices = @transform_7, window_bounds = array<i64: 1, 1>}]} {
    %eq3A = arith.constant 0 : i32
    %eq3A_0 = arith.cmpi eq, %arg0, %eq3A : i32
    %convert_element_type3A = arith.extui %eq3A_0 : i1 to i32
    %cond3A = arith.constant 0 : i32
    %cond3A_1 = arith.cmpi ne, %convert_element_type3A, %cond3A : i32
    scf.if %cond3A_1 {
      %get3A_108 = arith.constant 0 : index
      %get3A_109 = arith.constant 0 : index
      %get3A_110 = vector.load %arg4[%get3A_108, %get3A_109] : memref<2700x1024xf32, #tpu.memory_space<vmem>>, vector<2700x1024xf32>
      %get3A_111 = arith.constant 0 : index
      %get3A_112 = arith.constant 0 : index
      %get3A_113 = vector.load %arg4[%get3A_111, %get3A_112] : memref<2700x1024xf32, #tpu.memory_space<vmem>>, vector<2700x1024xf32>
      %mul3A_114 = arith.mulf %get3A_110, %get3A_113 : vector<2700x1024xf32>
      %reduce_sum3A_115 = arith.constant dense<0.000000e+00> : vector<1024xf32>
      %reduce_sum3A_116 = vector.multi_reduction <add>, %mul3A_114, %reduce_sum3A_115 [0] : vector<2700x1024xf32> to vector<1024xf32>
      %broadcast_in_dim3A_117 = vector.shape_cast %reduce_sum3A_116 : vector<1024xf32> to vector<1x1024xf32>
      %swap3A_118 = arith.constant 0 : index
      %swap3A_119 = arith.constant 0 : index
      %swap3A_120 = vector.load %arg10[%swap3A_118, %swap3A_119] : memref<1x1024xf32, #tpu.memory_space<vmem>>, vector<1x1024xf32>
      tpu.vector_store %arg10[%swap3A_118, %swap3A_119], %broadcast_in_dim3A_117 {strides = array<i32>} : memref<1x1024xf32, #tpu.memory_space<vmem>>, vector<1x1024xf32>,
      %broadcast_in_dim3A_121 = arith.constant 0.000000e+00 : f32
      %broadcast_in_dim3A_122 = vector.broadcast %broadcast_in_dim3A_121 : f32 to vector<1x1024xf32>
      %swap3A_123 = arith.constant 0 : index
      %swap3A_124 = arith.constant 0 : index
      %swap3A_125 = vector.load %arg9[%swap3A_123, %swap3A_124] : memref<1x1024xf32, #tpu.memory_space<vmem>>, vector<1x1024xf32>
      tpu.vector_store %arg9[%swap3A_123, %swap3A_124], %broadcast_in_dim3A_122 {strides = array<i32>} : memref<1x1024xf32, #tpu.memory_space<vmem>>, vector<1x1024xf32>,
      %swap3A_126 = arith.constant 0.000000e+00 : f32
      %swap3A_127 = arith.constant 0 : index
      %swap3A_128 = memref.load %arg11[%swap3A_127] : memref<1xf32, #tpu.memory_space<smem>>
      memref.store %swap3A_126, %arg11[%swap3A_127] : memref<1xf32, #tpu.memory_space<smem>>
    } else {
    }
    %get3A = arith.constant 0 : index
    %get3A_2 = arith.constant 0 : index
    %get3A_3 = vector.load %arg1[%get3A, %get3A_2] : memref<256x256xf32, #tpu.memory_space<vmem>>, vector<256x256xf32>
    %get3A_4 = arith.constant 0 : index
    %get3A_5 = arith.constant 0 : index
    %get3A_6 = vector.load %arg2[%get3A_4, %get3A_5] : memref<2700x256xf32, #tpu.memory_space<vmem>>, vector<2700x256xf32>
    %dot_general3A = arith.constant dense<0.000000e+00> : vector<256x2700xf32>
    %dot_general3A_7 = tpu.matmul %get3A_3, %get3A_6, %dot_general3A {dimension_numbers = #tpu.dot_dimension_numbers<[1], [1], [0], [0], [0, 0, 1, 0], [], []>, transpose_lhs_hint = false} : vector<256x256xf32>, vector<2700x256xf32>, vector<256x2700xf32> -> vector<256x2700xf32>
    %get3A_8 = arith.constant 0 : index
    %get3A_9 = vector.load %arg3[%get3A_8] : memref<2700xf32, #tpu.memory_space<vmem>>, vector<2700xf32>
    %broadcast_in_dim3A = vector.shape_cast %get3A_9 : vector<2700xf32> to vector<1x2700xf32>
    %add3A = vector.broadcast %broadcast_in_dim3A : vector<1x2700xf32> to vector<256x2700xf32>
    %add3A_10 = arith.addf %dot_general3A_7, %add3A : vector<256x2700xf32>
    %get3A_11 = arith.constant 0 : index
    %get3A_12 = arith.constant 0 : index
    %get3A_13 = vector.load %arg4[%get3A_11, %get3A_12] : memref<2700x1024xf32, #tpu.memory_space<vmem>>, vector<2700x1024xf32>
    %dot_general3A_14 = arith.constant dense<0.000000e+00> : vector<256x1024xf32>
    %dot_general3A_15 = tpu.matmul %add3A_10, %get3A_13, %dot_general3A_14 {dimension_numbers = #tpu.dot_dimension_numbers<[1], [0], [0], [1], [0, 0, 1, 1], [], []>, transpose_lhs_hint = false} : vector<256x2700xf32>, vector<2700x1024xf32>, vector<256x1024xf32> -> vector<256x1024xf32>
    %mul3A = arith.mulf %add3A_10, %add3A_10 : vector<256x2700xf32>
    %reduce_sum3A = arith.constant dense<0.000000e+00> : vector<256xf32>
    %reduce_sum3A_16 = vector.multi_reduction <add>, %mul3A, %reduce_sum3A [1] : vector<256x2700xf32> to vector<256xf32>
    %broadcast_in_dim3A_17 = vector.shape_cast %reduce_sum3A_16 : vector<256xf32> to vector<256x1xf32>
    %mul3A_18 = arith.constant 2.000000e+00 : f32
    %mul3A_19 = vector.broadcast %mul3A_18 : f32 to vector<256x1024xf32>
    %mul3A_20 = arith.mulf %mul3A_19, %dot_general3A_15 : vector<256x1024xf32>
    %sub3A = vector.broadcast %broadcast_in_dim3A_17 : vector<256x1xf32> to vector<256x1024xf32>
    %sub3A_21 = arith.subf %sub3A, %mul3A_20 : vector<256x1024xf32>
    %get3A_22 = arith.constant 0 : index
    %get3A_23 = arith.constant 0 : index
    %get3A_24 = vector.load %arg10[%get3A_22, %get3A_23] : memref<1x1024xf32, #tpu.memory_space<vmem>>, vector<1x1024xf32>
    %add3A_25 = vector.broadcast %get3A_24 : vector<1x1024xf32> to vector<256x1024xf32>
    %add3A_26 = arith.addf %sub3A_21, %add3A_25 : vector<256x1024xf32>
    %reduce_min3A = arith.constant dense<0x7F800000> : vector<256xf32>
    %reduce_min3A_27 = vector.multi_reduction <minimumf>, %add3A_26, %reduce_min3A [1] : vector<256x1024xf32> to vector<256xf32>
    %broadcast_in_dim3A_28 = vector.shape_cast %reduce_min3A_27 : vector<256xf32> to vector<256x1xf32>
    %argmin3A = tpu.reduce_index %add3A_26 {axis = 1 : i32, kind = #tpu.reduction_kind<arg_min>} : vector<256x1024xf32> -> vector<256xi32>
    %swap3A = arith.constant 0 : index
    %swap3A_29 = vector.load %arg5[%swap3A] : memref<256xi32, #tpu.memory_space<vmem>>, vector<256xi32>
    tpu.vector_store %arg5[%swap3A], %argmin3A {strides = array<i32>} : memref<256xi32, #tpu.memory_space<vmem>>, vector<256xi32>,
    %slice3A = vector.extract_strided_slice %argmin3A {offsets = [0], sizes = [32], strides = [1]} : vector<256xi32> to vector<32xi32>
    %swap3A_30 = arith.constant 0 : index
    %swap3A_31 = arith.constant 0 : index
    %swap3A_32 = vector.load %arg6[%swap3A_30, %swap3A_31] : memref<8x32xi32, #tpu.memory_space<vmem>>, vector<1x32xi32>
    %swap3A_33 = vector.shape_cast %swap3A_32 : vector<1x32xi32> to vector<32xi32>
    %swap3A_34 = vector.shape_cast %slice3A : vector<32xi32> to vector<1x32xi32>
    tpu.vector_store %arg6[%swap3A_30, %swap3A_31], %swap3A_34 {strides = array<i32>} : memref<8x32xi32, #tpu.memory_space<vmem>>, vector<1x32xi32>,
    %slice3A_35 = vector.extract_strided_slice %argmin3A {offsets = [32], sizes = [32], strides = [1]} : vector<256xi32> to vector<32xi32>
    %swap3A_36 = arith.constant 1 : index
    %swap3A_37 = arith.constant 0 : index
    %swap3A_38 = vector.load %arg6[%swap3A_36, %swap3A_37] : memref<8x32xi32, #tpu.memory_space<vmem>>, vector<1x32xi32>
    %swap3A_39 = vector.shape_cast %swap3A_38 : vector<1x32xi32> to vector<32xi32>
    %swap3A_40 = vector.shape_cast %slice3A_35 : vector<32xi32> to vector<1x32xi32>
    tpu.vector_store %arg6[%swap3A_36, %swap3A_37], %swap3A_40 {strides = array<i32>} : memref<8x32xi32, #tpu.memory_space<vmem>>, vector<1x32xi32>,
    %slice3A_41 = vector.extract_strided_slice %argmin3A {offsets = [64], sizes = [32], strides = [1]} : vector<256xi32> to vector<32xi32>
    %swap3A_42 = arith.constant 2 : index
    %swap3A_43 = arith.constant 0 : index
    %swap3A_44 = vector.load %arg6[%swap3A_42, %swap3A_43] : memref<8x32xi32, #tpu.memory_space<vmem>>, vector<1x32xi32>
    %swap3A_45 = vector.shape_cast %swap3A_44 : vector<1x32xi32> to vector<32xi32>
    %swap3A_46 = vector.shape_cast %slice3A_41 : vector<32xi32> to vector<1x32xi32>
    tpu.vector_store %arg6[%swap3A_42, %swap3A_43], %swap3A_46 {strides = array<i32>} : memref<8x32xi32, #tpu.memory_space<vmem>>, vector<1x32xi32>,
    %slice3A_47 = vector.extract_strided_slice %argmin3A {offsets = [96], sizes = [32], strides = [1]} : vector<256xi32> to vector<32xi32>
    %swap3A_48 = arith.constant 3 : index
    %swap3A_49 = arith.constant 0 : index
    %swap3A_50 = vector.load %arg6[%swap3A_48, %swap3A_49] : memref<8x32xi32, #tpu.memory_space<vmem>>, vector<1x32xi32>
    %swap3A_51 = vector.shape_cast %swap3A_50 : vector<1x32xi32> to vector<32xi32>
    %swap3A_52 = vector.shape_cast %slice3A_47 : vector<32xi32> to vector<1x32xi32>
    tpu.vector_store %arg6[%swap3A_48, %swap3A_49], %swap3A_52 {strides = array<i32>} : memref<8x32xi32, #tpu.memory_space<vmem>>, vector<1x32xi32>,
    %slice3A_53 = vector.extract_strided_slice %argmin3A {offsets = [128], sizes = [32], strides = [1]} : vector<256xi32> to vector<32xi32>
    %swap3A_54 = arith.constant 4 : index
    %swap3A_55 = arith.constant 0 : index
    %swap3A_56 = vector.load %arg6[%swap3A_54, %swap3A_55] : memref<8x32xi32, #tpu.memory_space<vmem>>, vector<1x32xi32>
    %swap3A_57 = vector.shape_cast %swap3A_56 : vector<1x32xi32> to vector<32xi32>
    %swap3A_58 = vector.shape_cast %slice3A_53 : vector<32xi32> to vector<1x32xi32>
    tpu.vector_store %arg6[%swap3A_54, %swap3A_55], %swap3A_58 {strides = array<i32>} : memref<8x32xi32, #tpu.memory_space<vmem>>, vector<1x32xi32>,
    %slice3A_59 = vector.extract_strided_slice %argmin3A {offsets = [160], sizes = [32], strides = [1]} : vector<256xi32> to vector<32xi32>
    %swap3A_60 = arith.constant 5 : index
    %swap3A_61 = arith.constant 0 : index
    %swap3A_62 = vector.load %arg6[%swap3A_60, %swap3A_61] : memref<8x32xi32, #tpu.memory_space<vmem>>, vector<1x32xi32>
    %swap3A_63 = vector.shape_cast %swap3A_62 : vector<1x32xi32> to vector<32xi32>
    %swap3A_64 = vector.shape_cast %slice3A_59 : vector<32xi32> to vector<1x32xi32>
    tpu.vector_store %arg6[%swap3A_60, %swap3A_61], %swap3A_64 {strides = array<i32>} : memref<8x32xi32, #tpu.memory_space<vmem>>, vector<1x32xi32>,
    %slice3A_65 = vector.extract_strided_slice %argmin3A {offsets = [192], sizes = [32], strides = [1]} : vector<256xi32> to vector<32xi32>
    %swap3A_66 = arith.constant 6 : index
    %swap3A_67 = arith.constant 0 : index
    %swap3A_68 = vector.load %arg6[%swap3A_66, %swap3A_67] : memref<8x32xi32, #tpu.memory_space<vmem>>, vector<1x32xi32>
    %swap3A_69 = vector.shape_cast %swap3A_68 : vector<1x32xi32> to vector<32xi32>
    %swap3A_70 = vector.shape_cast %slice3A_65 : vector<32xi32> to vector<1x32xi32>
    tpu.vector_store %arg6[%swap3A_66, %swap3A_67], %swap3A_70 {strides = array<i32>} : memref<8x32xi32, #tpu.memory_space<vmem>>, vector<1x32xi32>,
    %slice3A_71 = vector.extract_strided_slice %argmin3A {offsets = [224], sizes = [32], strides = [1]} : vector<256xi32> to vector<32xi32>
    %swap3A_72 = arith.constant 7 : index
    %swap3A_73 = arith.constant 0 : index
    %swap3A_74 = vector.load %arg6[%swap3A_72, %swap3A_73] : memref<8x32xi32, #tpu.memory_space<vmem>>, vector<1x32xi32>
    %swap3A_75 = vector.shape_cast %swap3A_74 : vector<1x32xi32> to vector<32xi32>
    %swap3A_76 = vector.shape_cast %slice3A_71 : vector<32xi32> to vector<1x32xi32>
    tpu.vector_store %arg6[%swap3A_72, %swap3A_73], %swap3A_76 {strides = array<i32>} : memref<8x32xi32, #tpu.memory_space<vmem>>, vector<1x32xi32>,
    %sub3A_77 = vector.broadcast %broadcast_in_dim3A_28 : vector<256x1xf32> to vector<256x1024xf32>
    %sub3A_78 = arith.subf %sub3A_77, %add3A_26 : vector<256x1024xf32>
    %exp3A = math.exp %sub3A_78 : vector<256x1024xf32>
    %reduce_sum3A_79 = arith.constant dense<0.000000e+00> : vector<256xf32>
    %reduce_sum3A_80 = vector.multi_reduction <add>, %exp3A, %reduce_sum3A_79 [1] : vector<256x1024xf32> to vector<256xf32>
    %broadcast_in_dim3A_81 = vector.shape_cast %reduce_sum3A_80 : vector<256xf32> to vector<256x1xf32>
    %div3A = vector.broadcast %broadcast_in_dim3A_81 : vector<256x1xf32> to vector<256x1024xf32>
    %div3A_82 = arith.divf %exp3A, %div3A : vector<256x1024xf32>
    %get3A_83 = arith.constant 0 : index
    %get3A_84 = arith.constant 0 : index
    %get3A_85 = vector.load %arg9[%get3A_83, %get3A_84] : memref<1x1024xf32, #tpu.memory_space<vmem>>, vector<1x1024xf32>
    %reduce_sum3A_86 = arith.constant dense<0.000000e+00> : vector<1024xf32>
    %reduce_sum3A_87 = vector.multi_reduction <add>, %div3A_82, %reduce_sum3A_86 [0] : vector<256x1024xf32> to vector<1024xf32>
    %broadcast_in_dim3A_88 = vector.shape_cast %reduce_sum3A_87 : vector<1024xf32> to vector<1x1024xf32>
    %add3A_89 = arith.addf %get3A_85, %broadcast_in_dim3A_88 : vector<1x1024xf32>
    %swap3A_90 = arith.constant 0 : index
    %swap3A_91 = arith.constant 0 : index
    %swap3A_92 = vector.load %arg9[%swap3A_90, %swap3A_91] : memref<1x1024xf32, #tpu.memory_space<vmem>>, vector<1x1024xf32>
    tpu.vector_store %arg9[%swap3A_90, %swap3A_91], %add3A_89 {strides = array<i32>} : memref<1x1024xf32, #tpu.memory_space<vmem>>, vector<1x1024xf32>,
    %get3A_93 = arith.constant 0 : index
    %get3A_94 = memref.load %arg11[%get3A_93] : memref<1xf32, #tpu.memory_space<smem>>
    %reduce_sum3A_95 = vector.shape_cast %broadcast_in_dim3A_28 : vector<256x1xf32> to vector<1x256x1xf32>
    %reduce_sum3A_96 = arith.constant dense<0.000000e+00> : vector<1xf32>
    %reduce_sum3A_97 = vector.multi_reduction <add>, %reduce_sum3A_95, %reduce_sum3A_96 [1, 2] : vector<1x256x1xf32> to vector<1xf32>
    %reduce_sum3A_98 = vector.shape_cast %reduce_sum3A_97 : vector<1xf32> to vector<1x1x1xf32>
    %reduce_sum3A_99 = vector.extract %reduce_sum3A_98[0, 0, 0] : f32 from vector<1x1x1xf32>
    %add3A_100 = arith.addf %get3A_94, %reduce_sum3A_99 : f32
    %swap3A_101 = arith.constant 0 : index
    %swap3A_102 = memref.load %arg11[%swap3A_101] : memref<1xf32, #tpu.memory_space<smem>>
    memref.store %add3A_100, %arg11[%swap3A_101] : memref<1xf32, #tpu.memory_space<smem>>
    %eq3A_103 = arith.constant 7 : i32
    %eq3A_104 = arith.cmpi eq, %arg0, %eq3A_103 : i32
    %convert_element_type3A_105 = arith.extui %eq3A_104 : i1 to i32
    %cond3A_106 = arith.constant 0 : i32
    %cond3A_107 = arith.cmpi ne, %convert_element_type3A_105, %cond3A_106 : i32
    scf.if %cond3A_107 {
      %get3A_108 = arith.constant 0 : index
      %get3A_109 = arith.constant 0 : index
      %get3A_110 = vector.load %arg9[%get3A_108, %get3A_109] : memref<1x1024xf32, #tpu.memory_space<vmem>>, vector<1x1024xf32>
      %div3A_111 = arith.constant 2.048000e+03 : f32
      %div3A_112 = vector.broadcast %div3A_111 : f32 to vector<1x1024xf32>
      %div3A_113 = arith.divf %get3A_110, %div3A_112 : vector<1x1024xf32>
      %add3A_114 = arith.constant 9.99999993E-9 : f32
      %add3A_115 = vector.broadcast %add3A_114 : f32 to vector<1x1024xf32>
      %add3A_116 = arith.addf %div3A_113, %add3A_115 : vector<1x1024xf32>
      %log3A = math.log %add3A_116 : vector<1x1024xf32>
      %mul3A_117 = arith.mulf %div3A_113, %log3A : vector<1x1024xf32>
      %reduce_sum3A_118 = vector.shape_cast %mul3A_117 : vector<1x1024xf32> to vector<1x1x1024xf32>
      %reduce_sum3A_119 = arith.constant dense<0.000000e+00> : vector<1xf32>
      %reduce_sum3A_120 = vector.multi_reduction <add>, %reduce_sum3A_118, %reduce_sum3A_119 [1, 2] : vector<1x1x1024xf32> to vector<1xf32>
      %reduce_sum3A_121 = vector.shape_cast %reduce_sum3A_120 : vector<1xf32> to vector<1x1x1xf32>
      %reduce_sum3A_122 = vector.extract %reduce_sum3A_121[0, 0, 0] : f32 from vector<1x1x1xf32>
      %neg3A = arith.constant 0.000000e+00 : f32
      %neg3A_123 = arith.subf %neg3A, %reduce_sum3A_122 : f32
      %swap3A_124 = arith.constant 0 : index
      %swap3A_125 = arith.constant 0 : index
      %swap3A_126 = memref.load %arg8[%swap3A_124, %swap3A_125] : memref<1x1xf32, #tpu.memory_space<smem>>
      memref.store %neg3A_123, %arg8[%swap3A_124, %swap3A_125] : memref<1x1xf32, #tpu.memory_space<smem>>
      %get3A_127 = arith.constant 0 : index
      %get3A_128 = memref.load %arg11[%get3A_127] : memref<1xf32, #tpu.memory_space<smem>>
      %mul3A_129 = arith.constant 4.52112268E-8 : f32
      %mul3A_130 = arith.mulf %mul3A_129, %get3A_128 : f32
      %swap3A_131 = arith.constant 0 : index
      %swap3A_132 = arith.constant 0 : index
      %swap3A_133 = memref.load %arg7[%swap3A_131, %swap3A_132] : memref<1x1xf32, #tpu.memory_space<smem>>
      memref.store %mul3A_130, %arg7[%swap3A_131, %swap3A_132] : memref<1x1xf32, #tpu.memory_space<smem>>
    } else {
    }
    return
  }
  func.func @transform_0(%arg0: i32) -> (i32, i32) {
    %c0_i32 = arith.constant 0 : i32
    %c0_i32_0 = arith.constant 0 : i32
    return %arg0, %c0_i32 : i32, i32
  }
  func.func @transform_1(%arg0: i32) -> (i32, i32) {
    %c0_i32 = arith.constant 0 : i32
    %c0_i32_0 = arith.constant 0 : i32
    %c0_i32_1 = arith.constant 0 : i32
    return %c0_i32, %c0_i32_0 : i32, i32
  }
  func.func @transform_2(%arg0: i32) -> i32 {
    %c0_i32 = arith.constant 0 : i32
    %c0_i32_0 = arith.constant 0 : i32
    return %c0_i32 : i32
  }
  func.func @transform_3(%arg0: i32) -> (i32, i32) {
    %c0_i32 = arith.constant 0 : i32
    %c0_i32_0 = arith.constant 0 : i32
    %c0_i32_1 = arith.constant 0 : i32
    return %c0_i32, %c0_i32_0 : i32, i32
  }
  func.func @transform_4(%arg0: i32) -> i32 {
    %c0_i32 = arith.constant 0 : i32
    return %arg0 : i32
  }
  func.func @transform_5(%arg0: i32) -> (i32, i32) {
    %c0_i32 = arith.constant 0 : i32
    %c0_i32_0 = arith.constant 0 : i32
    return %arg0, %c0_i32 : i32, i32
  }
  func.func @transform_6(%arg0: i32) -> (i32, i32) {
    %c0_i32 = arith.constant 0 : i32
    %c0_i32_0 = arith.constant 0 : i32
    %c0_i32_1 = arith.constant 0 : i32
    return %c0_i32, %c0_i32_0 : i32, i32
  }
  func.func @transform_7(%arg0: i32) -> (i32, i32) {
    %c0_i32 = arith.constant 0 : i32
    %c0_i32_0 = arith.constant 0 : i32
    %c0_i32_1 = arith.constant 0 : i32
    return %c0_i32, %c0_i32_0 : i32, i32
  }
}

</mosaic_0001>

<sc_bundles>
// kernel: kernel.4.cloned.1.call-start
scs
__scs_entry_jumppad:
0x0: {  	(pc) =	sbr.rel $0x88, $3  }
0x1: {  	(tag) =	ssettag $0x0;
	lr =	simm.s32 $0x1  }
0x2: {  	[smem:$0x3F9D] =	sst lr;
	_ =	strace $0xD0000000  }
0x3: {  	_ = 	snop  }
0x4: {  	_ = 	snop  }
0x5: {  	_ = 	snop  }
0x6: {  	_ = 	snop  }
0x7: {  	_ = 	snop  }
__scs_overlays_trampoline_lowered:
0x8: {  	[smem:$0x3FAC] =	sst s0  }
0x9: {  	[smem:$0x3FAD] =	sst s1  }
0xa: {  	[smem:$0x3FAE] =	sst s2  }
0xb: {  	[smem:$0x3FAF] =	sst s3  }
0xc: {  	[smem:$0x3FB0] =	sst s4  }
0xd: {  	[smem:$0x3FB1] =	sst s5  }
0xe: {  	[smem:$0x3FB2] =	sst s6  }
0xf: {  	[smem:$0x3FB3] =	sst s7  }
0x10: {  	[smem:$0x3FB4] =	sst s8  }
0x11: {  	[smem:$0x3FB5] =	sst s9;
	s0 =	simm.s32 @!p0 $0x0  }
0x12: {  	s1 =	sld [smem:$0x3F9B];
	s0 =	simm.s32 @p0 $0x1  }
0x13: {  	[smem:$0x3FB6] =	sst s0;
	s0 =	simm.s32 @!p1 $0x0  }
0x14: {  	s2 =	sld [smem:$0x3F9A];
	s0 =	simm.s32 @p1 $0x1  }
0x15: {  	[smem:$0x3FB7] =	sst s0;
	s0 =	simm.s32 @!p2 $0x0  }
0x16: {  	s3 =	sld [smem:$0x3FDB];
	s0 =	simm.s32 @p2 $0x1  }
0x17: {  	s4 =	simm.s32 $0x1BF5;
	[smem:$0x3FB9] =	sst s0  }
0x18: {  	s0 =	sld [smem:$0x3F9C];
	_ =	swait.ge [sflag:s4], $0x0  }
0x19: {  	s7 =	sld [smem:$0x3F9D]  }
0x1a: {  	s8 =	sadd.s32 $0xFFFFE003, lr  }
0x1b: {  	s9 =	sadd.s32 $0xFFFFFEF7, lr;
	s5 =	simm.s32 $0xFFFFFFFF;
	p2 =	slt.u32 s8, $0xFFFFF086  }
0x1c: {  	p1 =	slt.u32 s9, $0xF7A;
	s5 =	simm.s32 @!p2 $0x0  }
0x1d: {  	s5 =	simm.s32 @p1 $0x1;
	p0 =	seq.s32 s7, s2  }
0x1e: {  	s7 =	smul.u32 @!p0 $0xF7A, s2;
	p2 =	seq.s32 @!p0 s5, $0x0  }
0x1f: {  	s9 =	smul.u32 $0xF7A, s1;
	s8 =	simm.s32 @!p0 $0x1BF5;
	p2 =	por !p2, p0  }
0x20: {  	[sflag:s8] =	ssyncset.s32 @!p0 $0xFFFFF086;
	s6 =	sadd.s32 @!p0 s3, s7;
	s7 =	simm.s32 @!p0 $0x108  }
0x21: {  	s3 =	sadd.s32 s3, s9;
	s6 =	sadd.s32 @!p0 $0x88, s6;
	s7 =	simm.s32 @p2 $0x1082  }
0x22: {  	[simem:s7], [sflag:s8] =	dma.local @!p0 [hbm:s6], $0xF7A  }
0x23: {  	s9 =	sor.u32 $0xD0000000, s2;
	s6 =	simm.s32 $0x108;
	_ =	swait.ge @!p0 [sflag:s8], $0x0  }
0x24: {  	s3 =	sadd.s32 $0x88, s3;
	s6 =	simm.s32 @!p1 $0x1082;
	[sflag:s4] =	ssyncset.s32 $0xFFFFF086  }
0x25: {  	[simem:s6], [sflag:s4] =	dma.local [hbm:s3], $0xF7A  }
0x26: {  	[smem:$0x3F9D] =	sst s1;
	(tag) =	ssettag s2;
	_ =	strace s9  }
0x27: {  	s1 =	sld [smem:$0x3FAD]  }
0x28: {  	s2 =	sld [smem:$0x3FAE]  }
0x29: {  	s4 =	sld [smem:$0x3FB0]  }
0x2a: {  	p0 =	seq.s32 s5, $0x0;
	s5 =	sld [smem:$0x3FB1]  }
0x2b: {  	s6 =	sld [smem:$0x3FB2]  }
0x2c: {  	s7 =	sld [smem:$0x3FB3]  }
0x2d: {  	s3 =	simm.s32 $0x108;
	s8 =	sld [smem:$0x3FB4]  }
0x2e: {  	s3 =	simm.s32 @!p0 $0x1082;
	s9 =	sld [smem:$0x3FB5]  }
0x2f: {  	lr =	sadd.s32 s0, s3;
	s0 =	sld [smem:$0x3FAC]  }
0x30: {  	s3 =	sld [smem:$0x3FAF]  }
0x31: {  	[smem:$0x3FB8] =	sst s10  }
0x32: {  	s10 =	sld [smem:$0x3FB6];
	_ =	sdelay $0x3  }
0x33: {  	p0 =	seq.s32 s10, $0x1;
	s10 =	sld [smem:$0x3FB8];
	_ =	sdelay $0x3  }
0x34: {  	[smem:$0x3FB8] =	sst s10  }
0x35: {  	s10 =	sld [smem:$0x3FB7];
	_ =	sdelay $0x3  }
0x36: {  	p1 =	seq.s32 s10, $0x1;
	s10 =	sld [smem:$0x3FB8];
	_ =	sdelay $0x3  }
0x37: {  	[smem:$0x3FB8] =	sst s10  }
0x38: {  	s10 =	sld [smem:$0x3FB9]  }
0x39: {  	_ = 	snop;
	(pc) =	sbr.ind lr, $3  }
0x3a: {  	_ = 	snop  }
0x3b: {  	_ = 	snop  }
0x3c: {  	p2 =	seq.s32 s10, $0x1;
	s10 =	sld [smem:$0x3FB8]  }
0x3d: {  	_ =	shalt  }
0x3e: {  	_ =	shalt  }
0x3f: {  	_ =	shalt  }
0x40: {  	_ =	shalt  }
0x41: {  	_ =	shalt  }
0x42: {  	_ =	shalt  }
0x43: {  	_ =	shalt  }
0x44: {  	_ =	shalt  }
0x45: {  	_ =	shalt  }
0x46: {  	_ =	shalt  }
0x47: {  	_ =	shalt  }
0x48: {  	_ =	shalt  }
0x49: {  	_ =	shalt  }
0x4a: {  	_ =	shalt  }
0x4b: {  	_ =	shalt  }
0x4c: {  	_ =	shalt  }
0x4d: {  	_ =	shalt  }
0x4e: {  	_ =	shalt  }
0x4f: {  	_ =	shalt  }
0x50: {  	_ =	shalt  }
0x51: {  	_ =	shalt  }
0x52: {  	_ =	shalt  }
0x53: {  	_ =	shalt  }
0x54: {  	_ =	shalt  }
0x55: {  	_ =	shalt  }
0x56: {  	_ =	shalt  }
0x57: {  	_ =	shalt  }
0x58: {  	_ =	shalt  }
0x59: {  	_ =	shalt  }
0x5a: {  	_ =	shalt  }
0x5b: {  	_ =	shalt  }
0x5c: {  	_ =	shalt  }
0x5d: {  	_ =	shalt  }
0x5e: {  	_ =	shalt  }
0x5f: {  	_ =	shalt  }
0x60: {  	_ =	shalt  }
0x61: {  	_ =	shalt  }
0x62: {  	_ =	shalt  }
0x63: {  	_ =	shalt  }
0x64: {  	_ =	shalt  }
0x65: {  	_ =	shalt  }
0x66: {  	_ =	shalt  }
0x67: {  	_ =	shalt  }
0x68: {  	_ =	shalt  }
0x69: {  	_ =	shalt  }
0x6a: {  	_ =	shalt  }
0x6b: {  	_ =	shalt  }
0x6c: {  	_ =	shalt  }
0x6d: {  	_ =	shalt  }
0x6e: {  	_ =	shalt  }
0x6f: {  	_ =	shalt  }
0x70: {  	_ =	shalt  }
0x71: {  	_ =	shalt  }
0x72: {  	_ =	shalt  }
0x73: {  	_ =	shalt  }
0x74: {  	_ =	shalt  }
0x75: {  	_ =	shalt  }
0x76: {  	_ =	shalt  }
0x77: {  	_ =	shalt  }
0x78: {  	_ =	shalt  }
0x79: {  	_ =	shalt  }
0x7a: {  	_ =	shalt  }
0x7b: {  	_ =	shalt  }
0x7c: {  	_ =	shalt  }
0x7d: {  	_ =	shalt  }
0x7e: {  	_ =	shalt  }
0x7f: {  	_ =	shalt  }
0x80: {  	_ =	shalt  }
0x81: {  	_ =	shalt  }
0x82: {  	_ =	shalt  }
0x83: {  	_ =	shalt  }
0x84: {  	_ =	shalt  }
0x85: {  	_ =	shalt  }
0x86: {  	_ =	shalt  }
0x87: {  	_ =	shalt  }
.Lfunc_end0:
.L_simem_size_0:
called_computation_lowered:
.L_overlay_start_0:
0x88: {  	s2 =	sld [smem:$0x3FD9]  }
0x89: {  	s3 =	sld [smem:$0x3FFE];
	_ =	sdelay $0x1  }
0x8a: {  	s1 =	srdreg.scid  }
0x8b: {  	s0 =	sand.u32 $0x1, s1  }
0x8c: {  	s14 =	sshll.u32 s0, $0xA;
	s2 =	sadd.s32 s3, s2  }
0x8d: {  	s2 =	sadd.s32 s2, s14  }
0x8e: {  	[smem:$0x3FC4] =	sst s2  }
0x8f: {  	_ = 	snop  }
0x90: {  	s2 =	sld [smem:$0x3FD0];
	_ =	sdelay $0x2  }
0x91: {  	s15 =	simm.s32 $0xA;
	s4 =	simm.s32 $0x10  }
0x92: {  	[smem:s4], [sflag:s15] =	dma.local [hbm:s2], $0x1  }
0x93: {  	_ =	swait.eq [sflag:s15], $0x1  }
0x94: {  	[sflag:s15] =	ssyncset.done $0x0  }
0x95: {  	[sflag:s15] =	ssyncadd.s32 $0xFFFFFFFF  }
0x96: {  	s16 =	sld [smem:$0x10];
	(tm) =	ssettm $0x1  }
0x97: {  	s17 =	sld [smem:$0x3FFB];
	_ =	sdelay $0x3  }
0x98: {  	_ =	strace s17  }
0x99: {  	s3 =	sld [smem:$0x3FFC];
	_ =	sdelay $0x3  }
0x9a: {  	_ =	strace s3  }
0x9b: {  	s3 =	sld [smem:$0x3FFD];
	_ =	sdelay $0x3  }
0x9c: {  	_ =	strace s3  }
0x9d: {  	_ =	strace $0x8FFFFFFF  }
0x9e: {  	s18 =	sld [smem:$0x3FDB];
	_ =	sdelay $0x1  }
0x9f: {  	s19 =	simm.s32 $_scs_section_size  }
0xa0: {  	s5 =	simm.s32 $_size__tile_overlayer_lowered;
	s6 =	simm.s32 $_tile_overlayer_lowered  }
0xa1: {  	s22 =	simm.s32 $0x1BFF;
	s21 =	sshll.u32 s6, $0x1;
	s3 =	sadd.s32 s19, s18  }
0xa2: {  	s7 =	simm.s32 $0x0;
	s20 =	sshll.u32 s5, $0x1;
	s5 =	sadd.s32 s21, s3  }
0xa3: {  	[timem:s7], [sflag:s22] =	dma.local [hbm:s5], s20  }
0xa4: {  	_ =	swait.ge [sflag:s22], s20  }
0xa5: {  	s4 =	ssub.s32 $0x0, s20;
	[sflag:s22] =	ssyncset.done $0x0  }
0xa6: {  	[sflag:s22] =	ssyncadd.s32 s4;
	_ =	sdelay $0x1  }
0xa7: {  	s23 =	simm.s32 $0x1B8B  }
0xa8: {  	_ =	swait.ge [sflag:s23], $0x1  }
0xa9: {  	[sflag:s23] =	ssyncset.done $0x0  }
0xaa: {  	s25 =	simm.s32 $0x1B8E;
	s24 =	sld [smem:$0x3FFE];
	[sflag:s23] =	ssyncadd.s32 $0xFFFFFFFF  }
0xab: {  	s26 =	simm.s32 $execute0_lowered;
	[smem:$0x3FD2] =	sst s25  }
0xac: {  	s5 =	sshll.u32 s26, $0x1;
	_ =	strace $0x80000046;
	[dreg:$0x1] =	wrdreg $0xFFFFFFFF  }
0xad: {  	s28 =	simm.s32 $_size_execute0_lowered;
	s3 =	sadd.s32 s3, s5;
	[dreg:$0x0] =	wrdreg $0x0  }
0xae: {  	s5 =	sshll.u32 s28, $0x1;
	[dreg:$0x2] =	wrdreg s3  }
0xaf: {  	[dreg:$0x3] =	wrdreg s5  }
0xb0: {  	[dreg:$0x4] =	wrdreg $0xC0  }
0xb1: {  	_ =	task [dreg:s7], $0x5FFFF  }
0xb2: {  	[dreg:$0x1] =	wrdreg $0xFFFFFFFF  }
0xb3: {  	[dreg:$0x0] =	wrdreg $0x60  }
0xb4: {  	[dreg:$0x2] =	wrdreg s24  }
0xb5: {  	[dreg:$0x3] =	wrdreg s16  }
0xb6: {  	[dreg:$0x4] =	wrdreg $0x9  }
0xb7: {  	_ =	task.clear_ibuf [dreg:s7], $0x5FFFF;
	_ =	strace $0x90000046  }
0xb8: {  	s29 =	simm.s32 $0x9;
	_ =	strace $0x80000048  }
0xb9: {  	_ =	swait.ge [sflag:s29], $0x1  }
0xba: {  	[sflag:s29] =	ssyncadd.s32 $0xFFFFFFFF  }
0xbb: {  	_ =	strace $0x90000048  }
0xbc: {  	_ =	sfence  }
0xbd: {  	s30 =	sld [smem:$0x0];
	_ =	sdelay $0x2  }
0xbe: {  	s31 =	sshll.u32 s1, $0xD;
	s1 =	sshrl.u32 s1, $0x2  }
0xbf: {  	s3 =	sand.u32 $0x4000, s31;
	s1 =	sadd.s32 s1, s30  }
0xc0: {  	s0 =	sor.u32 s3, s0;
	s1 =	sshll.u32 s1, $0x11  }
0xc1: {  	s0 =	sor.u32 s1, s0  }
0xc2: {  	s0 =	sadd.s32 $0x8F2B, s0  }
0xc3: {  	[sflag:s0] =	ssyncadd.remote.s32 $0x1  }
0xc4: {  	_ =	sfence.sel $0xFFFF  }
0xc5: {  	[dreg:$0x0] =	wrdreg $0xFFFFFFFF;
	(pc) =	sbr.abs _section_cstart, $3  }
0xc6: {  	[dreg:$0x1] =	wrdreg $0xFFFFFFFF  }
0xc7: {  	_ =	task.clear_ibuf [dreg:s7], $0x2FFFF;
	_ =	strace $0x9FFFFFFF  }
0xc8: {  	(tm) =	ssettm $0x7FFFFFFF  }
0xc9: {  	_ =	shalt  }
tec
execute0_lowered:
.L_overlay_start_1:
0x0: {  	(tag) =	ssettag $0x1  }
0x1: {  	s0 =	rddreg [dreg:$0x0]  }
0x2: {  	s1 =	rddreg [dreg:$0x1];
	s2 =	srdreg.scid  }
0x3: {  	s4 =	stileid.u32;
	s15 =	simm.s32 $0x3;
	s17 =	simm.s32 $0x2  }
0x4: {  	s18 =	simm.s32 $0x1880;
	s19 =	simm.s32 $0x2080;
	s20 =	simm.s32 $0x2880  }
0x5: {  	s21 =	simm.s32 $0x3080;
	s23 =	simm.s32 $0x3880;
	s24 =	simm.s32 $0x4080  }
0x6: {  	s28 =	simm.s32 $0x5880;
	s29 =	simm.s32 $0x6080;
	s22 =	simm.s32 $0x7080  }
0x7: {  	s30 =	simm.s32 $0x7880;
	s31 =	simm.s32 $0x1;
	s3 =	sand.u32 $0x1, s2  }
0x8: {  	s2 =	simm.s32 $0x0;
	s4 =	sshll.u32 s4, $0x4;
	s13 =	sadd.s32 $0x1A00, s0  }
0x9: {  	s5 =	sshll.u32 s3, $0x3;
	[smem:$0x7FF] =	sst s2;
	s25 =	ssub.s32 $0x2, s3  }
0xa: {  	s3 =	sadd.s32 $0x1000, s0;
	s6 =	sor.u32 s5, s4;
	_ =	strace $0x80000047  }
0xb: {  	s7 =	sshrl.u32 s25, $0x1;
	s5 =	sadd.s32 $0x1200, s0;
	s8 =	smul.u32 $0x5800, s6  }
0xc: {  	s4 =	sadd.s32 s6, s0;
	s14 =	ssub.s32 s25, s7;
	s9 =	smul.u32 $0xB00, s6  }
0xd: {  	s6 =	sadd.s32 $0x1300, s0;
	s7 =	sadd.s32 $0x1400, s0;
	s4 =	sadd.s32 $0x59000, s4  }
0xe: {  	s25 =	simm.s32 $0x4880;
	s14 =	smax.u32 s14, $0x1;
	[dreg:$0x3] =	wrdreg s4  }
0xf: {  	s4 =	sadd.s32 $0x1100, s0;
	s10 =	sshrl.u32 s8, $0x3;
	s8 =	sadd.s32 $0x1500, s0  }
0x10: {  	s11 =	sadd.s32 s1, s9;
	s9 =	sadd.s32 $0x1600, s0;
	s1 =	sadd.s32 s1, s10  }
0x11: {  	[dreg:$0x4] =	wrdreg s11;
	s10 =	sadd.s32 $0x1700, s0;
	s26 =	sadd.s32 $0x1600, s1  }
0x12: {  	v2 =	vlaneseq.u32;
	s11 =	sadd.s32 $0x1800, s0;
	s12 =	sadd.s32 $0x2C00, s1;
	[dreg:$0x5] =	wrdreg s26  }
0x13: {  	vm0 =	vmmov $0xffff;
	v1 =	vshrl.u32 v2, $0x3;
	s1 =	sadd.s32 $0x4200, s1;
	[dreg:$0x6] =	wrdreg s12;
	s12 =	sadd.s32 $0x1900, s0  }
0x14: {  	v0 =	vand.u32 $0x7, v2;
	v2 =	vor.u32 $0x8, v2;
	v1 =	vmul.u32 $0x8, v1;
	[dreg:$0x7] =	wrdreg s1;
	s26 =	simm.s32 $0x5080;
	s1 =	simm.s32 $0xB080  }
.LBB2_1:
0x15: {  	s0 =	rddreg [dreg:$0x3]  }
0x16: {  	[tilespmem:s2], [sflag:$0x3] =	stream.linear.gather [hbm4b:s0+s2], $0x40, $0x38;
	[tilespmem:$0x16080] =	vst v63  }
0x17: {  	_ =	swait.ge [sflag:s15], $0x40  }
0x18: {  	[sflag:s15] =	ssyncset.done $0x0  }
0x19: {  	[sflag:s15] =	ssyncadd.s32 $0xFFFFFFC0  }
0x1a: {  	v3 =	vld [tilespmem:$0x0];
	_ =	sdelay $0x4  }
0x1b: {  	v4 =	vshrl.u32 v3, $0x3  }
0x1c: {  	v4 =	vmul.u32 $0xB0, v4  }
0x1d: {  	v3 =	vand.u32 $0x7, v3  }
0x1e: {  	v3 =	vor.u32 v3, v4  }
0x1f: {  	v4 =	vperm.xlane v3, v0;
	_ =	sdelay $0x1  }
0x20: {  	v4 =	vadd.s32 v1, v4;
	_ =	sdelay $0x3  }
0x21: {  	s16 =	simm.s32 $0x80  }
0x22: {  	[tilespmem:s16], [sflag:$0x1] =	stream.indirect_vreg.gather [hbm4b:s3+s2], $0x80, v4, vm0, $0xb8;
	[tilespmem:$0x16080] =	vst v63  }
0x23: {  	s16 =	simm.s32 $0x880  }
0x24: {  	[tilespmem:s16], [sflag:$0x1] =	stream.indirect_vreg.gather [hbm4b:s4+s2], $0x80, v4, vm0, $0xb8;
	[tilespmem:$0x16080] =	vst v63  }
0x25: {  	s16 =	simm.s32 $0x1080  }
0x26: {  	[tilespmem:s16], [sflag:$0x1] =	stream.indirect_vreg.gather [hbm4b:s5+s2], $0x80, v4, vm0, $0xb8;
	[tilespmem:$0x16080] =	vst v63  }
0x27: {  	_ = 	snop  }
0x28: {  	[tilespmem:s18], [sflag:$0x1] =	stream.indirect_vreg.gather [hbm4b:s6+s2], $0x80, v4, vm0, $0xb8;
	[tilespmem:$0x16080] =	vst v63  }
0x29: {  	_ = 	snop  }
0x2a: {  	[tilespmem:s19], [sflag:$0x1] =	stream.indirect_vreg.gather [hbm4b:s7+s2], $0x80, v4, vm0, $0xb8;
	[tilespmem:$0x16080] =	vst v63  }
0x2b: {  	_ = 	snop  }
0x2c: {  	[tilespmem:s20], [sflag:$0x1] =	stream.indirect_vreg.gather [hbm4b:s8+s2], $0x80, v4, vm0, $0xb8;
	[tilespmem:$0x16080] =	vst v63  }
0x2d: {  	_ = 	snop  }
0x2e: {  	[tilespmem:s21], [sflag:$0x1] =	stream.indirect_vreg.gather [hbm4b:s9+s2], $0x80, v4, vm0, $0xb8;
	[tilespmem:$0x16080] =	vst v63  }
0x2f: {  	_ = 	snop  }
0x30: {  	[tilespmem:s23], [sflag:$0x1] =	stream.indirect_vreg.gather [hbm4b:s10+s2], $0x80, v4, vm0, $0xb8;
	[tilespmem:$0x16080] =	vst v63  }
0x31: {  	v3 =	vperm.xlane v3, v2  }
0x32: {  	[tilespmem:s24], [sflag:$0x1] =	stream.indirect_vreg.gather [hbm4b:s11+s2], $0x80, v4, vm0, $0xb8;
	[tilespmem:$0x16080] =	vst v63  }
0x33: {  	v3 =	vadd.s32 v1, v3  }
0x34: {  	[tilespmem:s25], [sflag:$0x1] =	stream.indirect_vreg.gather [hbm4b:s12+s2], $0x80, v4, vm0, $0xb8;
	[tilespmem:$0x16080] =	vst v63  }
0x35: {  	_ = 	snop  }
0x36: {  	[tilespmem:s26], [sflag:$0x1] =	stream.indirect_vreg.gather [hbm4b:s13+s2], $0x80, v4, vm0, $0xb8;
	[tilespmem:$0x16080] =	vst v63  }
0x37: {  	_ = 	snop  }
0x38: {  	[tilespmem:s28], [sflag:$0x1] =	stream.indirect_vreg.gather [hbm4b:s3+s2], $0x80, v3, vm0, $0xb8;
	[tilespmem:$0x16080] =	vst v63  }
0x39: {  	_ = 	snop  }
0x3a: {  	[tilespmem:s29], [sflag:$0x1] =	stream.indirect_vreg.gather [hbm4b:s4+s2], $0x80, v3, vm0, $0xb8;
	[tilespmem:$0x16080] =	vst v63  }
0x3b: {  	s16 =	simm.s32 $0x6880  }
0x3c: {  	[tilespmem:s16], [sflag:$0x1] =	stream.indirect_vreg.gather [hbm4b:s5+s2], $0x80, v3, vm0, $0xb8;
	[tilespmem:$0x16080] =	vst v63  }
0x3d: {  	_ = 	snop  }
0x3e: {  	[tilespmem:s22], [sflag:$0x1] =	stream.indirect_vreg.gather [hbm4b:s6+s2], $0x80, v3, vm0, $0xb8;
	[tilespmem:$0x16080] =	vst v63  }
0x3f: {  	_ = 	snop  }
0x40: {  	[tilespmem:s30], [sflag:$0x1] =	stream.indirect_vreg.gather [hbm4b:s7+s2], $0x80, v3, vm0, $0xb8;
	[tilespmem:$0x16080] =	vst v63  }
0x41: {  	s16 =	simm.s32 $0x8080  }
0x42: {  	[tilespmem:s16], [sflag:$0x1] =	stream.indirect_vreg.gather [hbm4b:s8+s2], $0x80, v3, vm0, $0xb8;
	[tilespmem:$0x16080] =	vst v63  }
0x43: {  	s16 =	simm.s32 $0x8880  }
0x44: {  	[tilespmem:s16], [sflag:$0x1] =	stream.indirect_vreg.gather [hbm4b:s9+s2], $0x80, v3, vm0, $0xb8;
	[tilespmem:$0x16080] =	vst v63  }
0x45: {  	s16 =	simm.s32 $0x9080  }
0x46: {  	[tilespmem:s16], [sflag:$0x1] =	stream.indirect_vreg.gather [hbm4b:s10+s2], $0x80, v3, vm0, $0xb8;
	[tilespmem:$0x16080] =	vst v63  }
0x47: {  	s16 =	simm.s32 $0x9880  }
0x48: {  	[tilespmem:s16], [sflag:$0x1] =	stream.indirect_vreg.gather [hbm4b:s11+s2], $0x80, v3, vm0, $0xb8;
	[tilespmem:$0x16080] =	vst v63  }
0x49: {  	s16 =	simm.s32 $0xA080  }
0x4a: {  	[tilespmem:s16], [sflag:$0x1] =	stream.indirect_vreg.gather [hbm4b:s12+s2], $0x80, v3, vm0, $0xb8;
	[tilespmem:$0x16080] =	vst v63  }
0x4b: {  	s16 =	simm.s32 $0xA880  }
0x4c: {  	[tilespmem:s16], [sflag:$0x1] =	stream.indirect_vreg.gather [hbm4b:s13+s2], $0x80, v3, vm0, $0xb8;
	[tilespmem:$0x16080] =	vst v63  }
0x4d: {  	v3 =	vld [tilespmem:$0x10];
	_ =	sdelay $0x4  }
0x4e: {  	v61 =	vshrl.u32 v3, $0x3  }
0x4f: {  	v4 =	vmul.u32 $0xB0, v61  }
0x50: {  	v3 =	vand.u32 $0x7, v3  }
0x51: {  	v3 =	vor.u32 v3, v4  }
0x52: {  	v4 =	vperm.xlane v3, v0;
	_ =	sdelay $0x1  }
0x53: {  	v4 =	vadd.s32 v1, v4;
	_ =	sdelay $0x4  }
0x54: {  	[tilespmem:s1], [sflag:$0x2] =	stream.indirect_vreg.gather [hbm4b:s3+s2], $0x80, v4, vm0, $0xb8;
	[tilespmem:$0x16080] =	vst v63  }
0x55: {  	s16 =	simm.s32 $0xB880  }
0x56: {  	[tilespmem:s16], [sflag:$0x2] =	stream.indirect_vreg.gather [hbm4b:s4+s2], $0x80, v4, vm0, $0xb8;
	[tilespmem:$0x16080] =	vst v63  }
0x57: {  	s16 =	simm.s32 $0xC080  }
0x58: {  	[tilespmem:s16], [sflag:$0x2] =	stream.indirect_vreg.gather [hbm4b:s5+s2], $0x80, v4, vm0, $0xb8;
	[tilespmem:$0x16080] =	vst v63  }
0x59: {  	s16 =	simm.s32 $0xC880  }
0x5a: {  	[tilespmem:s16], [sflag:$0x2] =	stream.indirect_vreg.gather [hbm4b:s6+s2], $0x80, v4, vm0, $0xb8;
	[tilespmem:$0x16080] =	vst v63  }
0x5b: {  	s16 =	simm.s32 $0xD080  }
0x5c: {  	[tilespmem:s16], [sflag:$0x2] =	stream.indirect_vreg.gather [hbm4b:s7+s2], $0x80, v4, vm0, $0xb8;
	[tilespmem:$0x16080] =	vst v63  }
0x5d: {  	s16 =	simm.s32 $0xD880  }
0x5e: {  	[tilespmem:s16], [sflag:$0x2] =	stream.indirect_vreg.gather [hbm4b:s8+s2], $0x80, v4, vm0, $0xb8;
	[tilespmem:$0x16080] =	vst v63  }
0x5f: {  	s16 =	simm.s32 $0xE080  }
0x60: {  	[tilespmem:s16], [sflag:$0x2] =	stream.indirect_vreg.gather [hbm4b:s9+s2], $0x80, v4, vm0, $0xb8;
	[tilespmem:$0x16080] =	vst v63  }
0x61: {  	s16 =	simm.s32 $0xE880  }
0x62: {  	[tilespmem:s16], [sflag:$0x2] =	stream.indirect_vreg.gather [hbm4b:s10+s2], $0x80, v4, vm0, $0xb8;
	[tilespmem:$0x16080] =	vst v63  }
0x63: {  	v3 =	vperm.xlane v3, v2;
	s16 =	simm.s32 $0xF080  }
0x64: {  	[tilespmem:s16], [sflag:$0x2] =	stream.indirect_vreg.gather [hbm4b:s11+s2], $0x80, v4, vm0, $0xb8;
	[tilespmem:$0x16080] =	vst v63  }
0x65: {  	v3 =	vadd.s32 v1, v3;
	s16 =	simm.s32 $0xF880  }
0x66: {  	[tilespmem:s16], [sflag:$0x2] =	stream.indirect_vreg.gather [hbm4b:s12+s2], $0x80, v4, vm0, $0xb8;
	[tilespmem:$0x16080] =	vst v63  }
0x67: {  	s16 =	simm.s32 $0x10080  }
0x68: {  	[tilespmem:s16], [sflag:$0x2] =	stream.indirect_vreg.gather [hbm4b:s13+s2], $0x80, v4, vm0, $0xb8;
	[tilespmem:$0x16080] =	vst v63  }
0x69: {  	s16 =	simm.s32 $0x10880  }
0x6a: {  	[tilespmem:s16], [sflag:$0x2] =	stream.indirect_vreg.gather [hbm4b:s3+s2], $0x80, v3, vm0, $0xb8;
	[tilespmem:$0x16080] =	vst v63  }
0x6b: {  	s16 =	simm.s32 $0x11080  }
0x6c: {  	[tilespmem:s16], [sflag:$0x2] =	stream.indirect_vreg.gather [hbm4b:s4+s2], $0x80, v3, vm0, $0xb8;
	[tilespmem:$0x16080] =	vst v63  }
0x6d: {  	s16 =	simm.s32 $0x11880  }
0x6e: {  	[tilespmem:s16], [sflag:$0x2] =	stream.indirect_vreg.gather [hbm4b:s5+s2], $0x80, v3, vm0, $0xb8;
	[tilespmem:$0x16080] =	vst v63  }
0x6f: {  	s16 =	simm.s32 $0x12080  }
0x70: {  	[tilespmem:s16], [sflag:$0x2] =	stream.indirect_vreg.gather [hbm4b:s6+s2], $0x80, v3, vm0, $0xb8;
	[tilespmem:$0x16080] =	vst v63  }
0x71: {  	s16 =	simm.s32 $0x12880  }
0x72: {  	[tilespmem:s16], [sflag:$0x2] =	stream.indirect_vreg.gather [hbm4b:s7+s2], $0x80, v3, vm0, $0xb8;
	[tilespmem:$0x16080] =	vst v63  }
0x73: {  	s16 =	simm.s32 $0x13080  }
0x74: {  	[tilespmem:s16], [sflag:$0x2] =	stream.indirect_vreg.gather [hbm4b:s8+s2], $0x80, v3, vm0, $0xb8;
	[tilespmem:$0x16080] =	vst v63  }
0x75: {  	s16 =	simm.s32 $0x13880  }
0x76: {  	[tilespmem:s16], [sflag:$0x2] =	stream.indirect_vreg.gather [hbm4b:s9+s2], $0x80, v3, vm0, $0xb8;
	[tilespmem:$0x16080] =	vst v63  }
0x77: {  	s16 =	simm.s32 $0x14080  }
0x78: {  	[tilespmem:s16], [sflag:$0x2] =	stream.indirect_vreg.gather [hbm4b:s10+s2], $0x80, v3, vm0, $0xb8;
	[tilespmem:$0x16080] =	vst v63  }
0x79: {  	s16 =	simm.s32 $0x14880  }
0x7a: {  	[tilespmem:s16], [sflag:$0x2] =	stream.indirect_vreg.gather [hbm4b:s11+s2], $0x80, v3, vm0, $0xb8;
	[tilespmem:$0x16080] =	vst v63  }
0x7b: {  	s16 =	simm.s32 $0x15080  }
0x7c: {  	[tilespmem:s16], [sflag:$0x2] =	stream.indirect_vreg.gather [hbm4b:s12+s2], $0x80, v3, vm0, $0xb8;
	[tilespmem:$0x16080] =	vst v63  }
0x7d: {  	s16 =	simm.s32 $0x15880  }
0x7e: {  	[tilespmem:s16], [sflag:$0x2] =	stream.indirect_vreg.gather [hbm4b:s13+s2], $0x80, v3, vm0, $0xb8;
	[tilespmem:$0x16080] =	vst v63  }
0x7f: {  	_ =	swait.ge [sflag:s31], $0xB000  }
0x80: {  	[sflag:s31] =	ssyncset.done $0x0  }
0x81: {  	s16 =	simm.s32 $0x80;
	s0 =	rddreg [dreg:$0x4];
	[sflag:s31] =	ssyncadd.s32 $0xFFFF5000  }
0x82: {  	[hbm4b:s0+s2] =	stream.linear.scatter [tilespmem:s16], [sflag:$0x3], $0xB000, $0x38;
	[tilespmem:$0x16080] =	vst v63  }
0x83: {  	_ =	swait.ge [sflag:s15], $0xB000  }
0x84: {  	[sflag:s15] =	ssyncset.done $0x0  }
0x85: {  	[sflag:s15] =	ssyncadd.s32 $0xFFFF5000  }
0x86: {  	v3 =	vld [tilespmem:$0x20];
	_ =	sdelay $0x4  }
0x87: {  	v62 =	vshrl.u32 v3, $0x3  }
0x88: {  	v4 =	vmul.u32 $0xB0, v62  }
0x89: {  	v3 =	vand.u32 $0x7, v3  }
0x8a: {  	v3 =	vor.u32 v3, v4  }
0x8b: {  	v4 =	vperm.xlane v3, v0;
	_ =	sdelay $0x1  }
0x8c: {  	v4 =	vadd.s32 v1, v4;
	_ =	sdelay $0x4  }
0x8d: {  	[tilespmem:s16], [sflag:$0x1] =	stream.indirect_vreg.gather [hbm4b:s3+s2], $0x80, v4, vm0, $0xb8;
	[tilespmem:$0x16080] =	vst v63  }
0x8e: {  	s0 =	simm.s32 $0x880  }
0x8f: {  	[tilespmem:s0], [sflag:$0x1] =	stream.indirect_vreg.gather [hbm4b:s4+s2], $0x80, v4, vm0, $0xb8;
	[tilespmem:$0x16080] =	vst v63  }
0x90: {  	s0 =	simm.s32 $0x1080  }
0x91: {  	[tilespmem:s0], [sflag:$0x1] =	stream.indirect_vreg.gather [hbm4b:s5+s2], $0x80, v4, vm0, $0xb8;
	[tilespmem:$0x16080] =	vst v63  }
0x92: {  	_ = 	snop  }
0x93: {  	[tilespmem:s18], [sflag:$0x1] =	stream.indirect_vreg.gather [hbm4b:s6+s2], $0x80, v4, vm0, $0xb8;
	[tilespmem:$0x16080] =	vst v63  }
0x94: {  	_ = 	snop  }
0x95: {  	[tilespmem:s19], [sflag:$0x1] =	stream.indirect_vreg.gather [hbm4b:s7+s2], $0x80, v4, vm0, $0xb8;
	[tilespmem:$0x16080] =	vst v63  }
0x96: {  	_ = 	snop  }
0x97: {  	[tilespmem:s20], [sflag:$0x1] =	stream.indirect_vreg.gather [hbm4b:s8+s2], $0x80, v4, vm0, $0xb8;
	[tilespmem:$0x16080] =	vst v63  }
0x98: {  	_ = 	snop  }
0x99: {  	[tilespmem:s21], [sflag:$0x1] =	stream.indirect_vreg.gather [hbm4b:s9+s2], $0x80, v4, vm0, $0xb8;
	[tilespmem:$0x16080] =	vst v63  }
0x9a: {  	_ = 	snop  }
0x9b: {  	[tilespmem:s23], [sflag:$0x1] =	stream.indirect_vreg.gather [hbm4b:s10+s2], $0x80, v4, vm0, $0xb8;
	[tilespmem:$0x16080] =	vst v63  }
0x9c: {  	v3 =	vperm.xlane v3, v2  }
0x9d: {  	[tilespmem:s24], [sflag:$0x1] =	stream.indirect_vreg.gather [hbm4b:s11+s2], $0x80, v4, vm0, $0xb8;
	[tilespmem:$0x16080] =	vst v63  }
0x9e: {  	v3 =	vadd.s32 v1, v3  }
0x9f: {  	[tilespmem:s25], [sflag:$0x1] =	stream.indirect_vreg.gather [hbm4b:s12+s2], $0x80, v4, vm0, $0xb8;
	[tilespmem:$0x16080] =	vst v63  }
0xa0: {  	_ = 	snop  }
0xa1: {  	[tilespmem:s26], [sflag:$0x1] =	stream.indirect_vreg.gather [hbm4b:s13+s2], $0x80, v4, vm0, $0xb8;
	[tilespmem:$0x16080] =	vst v63  }
0xa2: {  	_ = 	snop  }
0xa3: {  	[tilespmem:s28], [sflag:$0x1] =	stream.indirect_vreg.gather [hbm4b:s3+s2], $0x80, v3, vm0, $0xb8;
	[tilespmem:$0x16080] =	vst v63  }
0xa4: {  	_ = 	snop  }
0xa5: {  	[tilespmem:s29], [sflag:$0x1] =	stream.indirect_vreg.gather [hbm4b:s4+s2], $0x80, v3, vm0, $0xb8;
	[tilespmem:$0x16080] =	vst v63  }
0xa6: {  	s0 =	simm.s32 $0x6880  }
0xa7: {  	[tilespmem:s0], [sflag:$0x1] =	stream.indirect_vreg.gather [hbm4b:s5+s2], $0x80, v3, vm0, $0xb8;
	[tilespmem:$0x16080] =	vst v63  }
0xa8: {  	_ = 	snop  }
0xa9: {  	[tilespmem:s22], [sflag:$0x1] =	stream.indirect_vreg.gather [hbm4b:s6+s2], $0x80, v3, vm0, $0xb8;
	[tilespmem:$0x16080] =	vst v63  }
0xaa: {  	_ = 	snop  }
0xab: {  	[tilespmem:s30], [sflag:$0x1] =	stream.indirect_vreg.gather [hbm4b:s7+s2], $0x80, v3, vm0, $0xb8;
	[tilespmem:$0x16080] =	vst v63  }
0xac: {  	s0 =	simm.s32 $0x8080  }
0xad: {  	[tilespmem:s0], [sflag:$0x1] =	stream.indirect_vreg.gather [hbm4b:s8+s2], $0x80, v3, vm0, $0xb8;
	[tilespmem:$0x16080] =	vst v63  }
0xae: {  	s0 =	simm.s32 $0x8880  }
0xaf: {  	[tilespmem:s0], [sflag:$0x1] =	stream.indirect_vreg.gather [hbm4b:s9+s2], $0x80, v3, vm0, $0xb8;
	[tilespmem:$0x16080] =	vst v63  }
0xb0: {  	s0 =	simm.s32 $0x9080  }
0xb1: {  	[tilespmem:s0], [sflag:$0x1] =	stream.indirect_vreg.gather [hbm4b:s10+s2], $0x80, v3, vm0, $0xb8;
	[tilespmem:$0x16080] =	vst v63  }
0xb2: {  	s0 =	simm.s32 $0x9880  }
0xb3: {  	[tilespmem:s0], [sflag:$0x1] =	stream.indirect_vreg.gather [hbm4b:s11+s2], $0x80, v3, vm0, $0xb8;
	[tilespmem:$0x16080] =	vst v63  }
0xb4: {  	s0 =	simm.s32 $0xA080  }
0xb5: {  	[tilespmem:s0], [sflag:$0x1] =	stream.indirect_vreg.gather [hbm4b:s12+s2], $0x80, v3, vm0, $0xb8;
	[tilespmem:$0x16080] =	vst v63  }
0xb6: {  	s0 =	simm.s32 $0xA880  }
0xb7: {  	[tilespmem:s0], [sflag:$0x1] =	stream.indirect_vreg.gather [hbm4b:s13+s2], $0x80, v3, vm0, $0xb8;
	[tilespmem:$0x16080] =	vst v63  }
0xb8: {  	_ =	swait.ge [sflag:s17], $0xB000  }
0xb9: {  	[sflag:s17] =	ssyncset.done $0x0  }
0xba: {  	s0 =	rddreg [dreg:$0x5];
	[sflag:s17] =	ssyncadd.s32 $0xFFFF5000  }
0xbb: {  	[hbm4b:s0+s2] =	stream.linear.scatter [tilespmem:s1], [sflag:$0x3], $0xB000, $0x38;
	[tilespmem:$0x16080] =	vst v63  }
0xbc: {  	_ =	swait.ge [sflag:s15], $0xB000  }
0xbd: {  	[sflag:s15] =	ssyncset.done $0x0  }
0xbe: {  	[sflag:s15] =	ssyncadd.s32 $0xFFFF5000  }
0xbf: {  	v3 =	vld [tilespmem:$0x30];
	_ =	sdelay $0x4  }
0xc0: {  	v63 =	vshrl.u32 v3, $0x3  }
0xc1: {  	v4 =	vmul.u32 $0xB0, v63  }
0xc2: {  	v3 =	vand.u32 $0x7, v3  }
0xc3: {  	v3 =	vor.u32 v3, v4  }
0xc4: {  	v4 =	vperm.xlane v3, v0;
	_ =	sdelay $0x1  }
0xc5: {  	v4 =	vadd.s32 v1, v4;
	_ =	sdelay $0x4  }
0xc6: {  	[tilespmem:s1], [sflag:$0x2] =	stream.indirect_vreg.gather [hbm4b:s3+s2], $0x80, v4, vm0, $0xb8;
	[tilespmem:$0x16080] =	vst v63  }
0xc7: {  	s0 =	simm.s32 $0xB880  }
0xc8: {  	[tilespmem:s0], [sflag:$0x2] =	stream.indirect_vreg.gather [hbm4b:s4+s2], $0x80, v4, vm0, $0xb8;
	[tilespmem:$0x16080] =	vst v63  }
0xc9: {  	s0 =	simm.s32 $0xC080  }
0xca: {  	[tilespmem:s0], [sflag:$0x2] =	stream.indirect_vreg.gather [hbm4b:s5+s2], $0x80, v4, vm0, $0xb8;
	[tilespmem:$0x16080] =	vst v63  }
0xcb: {  	s0 =	simm.s32 $0xC880  }
0xcc: {  	[tilespmem:s0], [sflag:$0x2] =	stream.indirect_vreg.gather [hbm4b:s6+s2], $0x80, v4, vm0, $0xb8;
	[tilespmem:$0x16080] =	vst v63  }
0xcd: {  	s0 =	simm.s32 $0xD080  }
0xce: {  	[tilespmem:s0], [sflag:$0x2] =	stream.indirect_vreg.gather [hbm4b:s7+s2], $0x80, v4, vm0, $0xb8;
	[tilespmem:$0x16080] =	vst v63  }
0xcf: {  	s0 =	simm.s32 $0xD880  }
0xd0: {  	[tilespmem:s0], [sflag:$0x2] =	stream.indirect_vreg.gather [hbm4b:s8+s2], $0x80, v4, vm0, $0xb8;
	[tilespmem:$0x16080] =	vst v63  }
0xd1: {  	s0 =	simm.s32 $0xE080  }
0xd2: {  	[tilespmem:s0], [sflag:$0x2] =	stream.indirect_vreg.gather [hbm4b:s9+s2], $0x80, v4, vm0, $0xb8;
	[tilespmem:$0x16080] =	vst v63  }
0xd3: {  	s0 =	simm.s32 $0xE880  }
0xd4: {  	[tilespmem:s0], [sflag:$0x2] =	stream.indirect_vreg.gather [hbm4b:s10+s2], $0x80, v4, vm0, $0xb8;
	[tilespmem:$0x16080] =	vst v63  }
0xd5: {  	v3 =	vperm.xlane v3, v2;
	s0 =	simm.s32 $0xF080  }
0xd6: {  	[tilespmem:s0], [sflag:$0x2] =	stream.indirect_vreg.gather [hbm4b:s11+s2], $0x80, v4, vm0, $0xb8;
	[tilespmem:$0x16080] =	vst v63  }
0xd7: {  	v3 =	vadd.s32 v1, v3;
	s0 =	simm.s32 $0xF880  }
0xd8: {  	[tilespmem:s0], [sflag:$0x2] =	stream.indirect_vreg.gather [hbm4b:s12+s2], $0x80, v4, vm0, $0xb8;
	[tilespmem:$0x16080] =	vst v63  }
0xd9: {  	s0 =	simm.s32 $0x10080  }
0xda: {  	[tilespmem:s0], [sflag:$0x2] =	stream.indirect_vreg.gather [hbm4b:s13+s2], $0x80, v4, vm0, $0xb8;
	[tilespmem:$0x16080] =	vst v63  }
0xdb: {  	s0 =	simm.s32 $0x10880  }
0xdc: {  	[tilespmem:s0], [sflag:$0x2] =	stream.indirect_vreg.gather [hbm4b:s3+s2], $0x80, v3, vm0, $0xb8;
	[tilespmem:$0x16080] =	vst v63  }
0xdd: {  	s0 =	simm.s32 $0x11080  }
0xde: {  	[tilespmem:s0], [sflag:$0x2] =	stream.indirect_vreg.gather [hbm4b:s4+s2], $0x80, v3, vm0, $0xb8;
	[tilespmem:$0x16080] =	vst v63  }
0xdf: {  	s0 =	simm.s32 $0x11880  }
0xe0: {  	[tilespmem:s0], [sflag:$0x2] =	stream.indirect_vreg.gather [hbm4b:s5+s2], $0x80, v3, vm0, $0xb8;
	[tilespmem:$0x16080] =	vst v63  }
0xe1: {  	s0 =	simm.s32 $0x12080  }
0xe2: {  	[tilespmem:s0], [sflag:$0x2] =	stream.indirect_vreg.gather [hbm4b:s6+s2], $0x80, v3, vm0, $0xb8;
	[tilespmem:$0x16080] =	vst v63  }
0xe3: {  	s0 =	simm.s32 $0x12880  }
0xe4: {  	[tilespmem:s0], [sflag:$0x2] =	stream.indirect_vreg.gather [hbm4b:s7+s2], $0x80, v3, vm0, $0xb8;
	[tilespmem:$0x16080] =	vst v63  }
0xe5: {  	s0 =	simm.s32 $0x13080  }
0xe6: {  	[tilespmem:s0], [sflag:$0x2] =	stream.indirect_vreg.gather [hbm4b:s8+s2], $0x80, v3, vm0, $0xb8;
	[tilespmem:$0x16080] =	vst v63  }
0xe7: {  	s0 =	simm.s32 $0x13880  }
0xe8: {  	[tilespmem:s0], [sflag:$0x2] =	stream.indirect_vreg.gather [hbm4b:s9+s2], $0x80, v3, vm0, $0xb8;
	[tilespmem:$0x16080] =	vst v63  }
0xe9: {  	s0 =	simm.s32 $0x14080  }
0xea: {  	[tilespmem:s0], [sflag:$0x2] =	stream.indirect_vreg.gather [hbm4b:s10+s2], $0x80, v3, vm0, $0xb8;
	[tilespmem:$0x16080] =	vst v63  }
0xeb: {  	s0 =	simm.s32 $0x14880  }
0xec: {  	[tilespmem:s0], [sflag:$0x2] =	stream.indirect_vreg.gather [hbm4b:s11+s2], $0x80, v3, vm0, $0xb8;
	[tilespmem:$0x16080] =	vst v63  }
0xed: {  	s0 =	simm.s32 $0x15080  }
0xee: {  	[tilespmem:s0], [sflag:$0x2] =	stream.indirect_vreg.gather [hbm4b:s12+s2], $0x80, v3, vm0, $0xb8;
	[tilespmem:$0x16080] =	vst v63  }
0xef: {  	s0 =	simm.s32 $0x15880  }
0xf0: {  	[tilespmem:s0], [sflag:$0x2] =	stream.indirect_vreg.gather [hbm4b:s13+s2], $0x80, v3, vm0, $0xb8;
	[tilespmem:$0x16080] =	vst v63  }
0xf1: {  	_ =	swait.ge [sflag:s31], $0xB000  }
0xf2: {  	[sflag:s31] =	ssyncset.done $0x0  }
0xf3: {  	s16 =	simm.s32 $0x80;
	s0 =	rddreg [dreg:$0x6];
	[sflag:s31] =	ssyncadd.s32 $0xFFFF5000  }
0xf4: {  	[hbm4b:s0+s2] =	stream.linear.scatter [tilespmem:s16], [sflag:$0x3], $0xB000, $0x38;
	[tilespmem:$0x16080] =	vst v63  }
0xf5: {  	_ =	swait.ge [sflag:s15], $0xB000  }
0xf6: {  	[sflag:s15] =	ssyncset.done $0x0  }
0xf7: {  	[sflag:s15] =	ssyncadd.s32 $0xFFFF5000  }
0xf8: {  	_ =	swait.ge [sflag:s17], $0xB000  }
0xf9: {  	p0 =	sne.s32 s14, $0x1;
	[sflag:s17] =	ssyncset.done $0x0  }
.Ltmp0:
0xfa: {  	s16 =	rddreg [dreg:$0x7];
	[sflag:s17] =	ssyncadd.s32 $0xFFFF5000;
	(pc) =	sbr.rel @p0 .LBB2_1-.Ltmp0, $4  }
0xfb: {  	[hbm4b:s16+s2] =	stream.linear.scatter [tilespmem:s1], [sflag:$0x3], $0xB000, $0x38;
	[tilespmem:$0x16080] =	vst v63  }
0xfc: {  	_ =	swait.ge [sflag:s15], $0xB000  }
0xfd: {  	[sflag:s15] =	ssyncset.done $0x0  }
0xfe: {  	s14 =	sadd.s32 $0xFFFFFFFF, s14;
	[sflag:s15] =	ssyncadd.s32 $0xFFFF5000  }
0xff: {  	_ =	sfence.sel $0x180000  }
0x100: {  	[bflag:$0x0] =	sbarrier.arrive $0xFFFF  }
0x101: {  	_ =	strace $0x90000047  }
0x102: {  	s0 =	stileid.u32;
	[bflag:$0x2] =	sbarrier.arrive $0xFFFF  }
0x103: {  	p0 =	sne.s32 s0, $0x0;
	s0 =	rddreg [dreg:$0x2]  }
0x104: {  	s0 =	sadd.s32 @!p0 $0x100000, s0  }
0x105: {  	[sflag:s0] =	ssyncadd.tile.s32 @!p0 $0x1;
	_ =	shalt  }
.Lfunc_end2:
_tile_overlayer_lowered:
.L_overlay_start_2:
0x106: {  	(tag) =	ssettag $0x2  }
0x107: {  	s0 =	rddreg [dreg:$0x0];
	s2 =	stileid.u32  }
0x108: {  	s1 =	rddreg [dreg:$0x1];
	p0 =	sne.s32 s2, $0x0  }
0x109: {  	s3 =	rddreg [dreg:$0x2];
	[bflag:$0x3] =	sbarrier.arrive $0xFFFF;
	s2 =	simm.s32 @!p0 $0x1C03  }
0x10a: {  	[timem:s3], [sflag:s2] =	dma.local @!p0 [hbm:s0], s1  }
0x10b: {  	s0 =	simm.s32 @!p0 $0x3  }
0x10c: {  	_ =	swait.ge @!p0 [sflag:s0], s1  }
0x10d: {  	s1 =	ssub.s32 @!p0 $0x0, s1;
	[sflag:s0] =	ssyncset.done @!p0 $0x0  }
0x10e: {  	[sflag:s0] =	ssyncadd.s32 @!p0 s1  }
0x10f: {  	[bflag:$0x3] =	sbarrier.arrive $0xFFFF  }
0x110: {  	_ =	shalt  }

</sc_bundles>
